<compile_context>
chip_gen: v7x
topology: tpu7x:2x2x1
jax: 0.10.2.dev20260603
libtpu: 0.0.44.dev20260713+nightly
codegen_flags: <defaults>
</compile_context>

<pallas_src>
import functools

import jax
import jax.numpy as jnp
from jax import lax
from jax.experimental import pallas as pl
from jax.experimental.pallas import tpu as pltpu
from jax.experimental.pallas import tpu_sc as plsc

_LP6 = -0.017029610589052675
_LP5 = 0.08152317761736225
_LP4 = -0.18901954822291905
_LP3 = 0.31504127990864345
_LP2 = -0.49720333122019134
_LP1 = 0.9998325947816316
_LP0 = 1.6936626598407223e-06

_NC, _NS, _L = 2, 16, 16
_NW = _NC * _NS
_ACCW = 256


def _argmax_body(lab_ref, cls_ref):
    cls_ref[...] = jnp.argmax(lab_ref[...], axis=1).astype(jnp.int32)


def _finish_body(p_ref, o_ref):
    p = p_ref[...]
    cs = jnp.sum(p, axis=0)
    s_a = cs[0:64]
    cnt = cs[64:128]
    s_b = cs[128:192]
    c_b = jnp.sum(p[_NW // 2:, 64:128], axis=0)
    loss_a = jnp.mean(s_a / jnp.maximum(cnt, 1.0))
    loss_b = jnp.mean(s_b / jnp.maximum(c_b, 1.0))
    rr = lax.broadcasted_iota(jnp.int32, o_ref.shape, 0)
    ii = lax.broadcasted_iota(jnp.int32, o_ref.shape, 1)
    o_ref[...] = jnp.where((rr == 0) & (ii == 0), loss_a,
                           jnp.where((rr == 0) & (ii == 1), loss_b, 0.0))


def _make_sc_main(B, SPT):
    NROW = 2 * SPT
    NDMA = NROW // 128
    mesh = plsc.VectorSubcoreMesh(core_axis_name="c", subcore_axis_name="s")

    @functools.partial(
        pl.kernel,
        out_type=jax.ShapeDtypeStruct((_NW, _ACCW), jnp.float32),
        mesh=mesh,
        compiler_params=pltpu.CompilerParams(needs_layout_passes=False,
                                             use_tc_tiling_on_sc=False),
        scratch_types=[
            pltpu.VMEM((SPT,), jnp.int32),
            pltpu.VMEM((NDMA, 128), jnp.int32),
            pltpu.VMEM((NROW, 8), jnp.float32),
            pltpu.VMEM((NROW,), jnp.float32),
            pltpu.VMEM((_L * _ACCW,), jnp.float32),
            pltpu.VMEM((_ACCW,), jnp.float32),
            pltpu.SemaphoreType.DMA,
        ],
    )
    def sc_main(nat8_hbm, cls_hbm, dom_hbm, out_hbm,
                cls_v, idx_v, buf_v, dom_v, acc_v, part_v, sem):
        wid = lax.axis_index("s") * _NC + lax.axis_index("c")
        base = wid * SPT
        lane = lax.iota(jnp.int32, 16)
        ones = jnp.ones((16,), jnp.float32)
        lbase = lane * _ACCW
        is_tgt = wid >= (_NW // 2)

        pltpu.sync_copy(cls_hbm.at[pl.ds(base, SPT)], cls_v)

        half = SPT // 128

        def build(i8, c):
            for u in range(2):
                i = i8 * 2 + u
                k0 = i * 16
                clsr = cls_v[pl.ds(k0, 16)]
                sg = base + k0 + lane
                r0 = clsr * 4096 + ((sg >> 7) << 5) + ((sg & 127) >> 3)
                cpos = (i & 7) * 16
                idx_v[i >> 3, pl.ds(cpos, 16)] = r0
                idx_v[half + (i >> 3), pl.ds(cpos, 16)] = r0 + 16
            return c

        lax.fori_loop(0, SPT // 32, build, 0)

        copies = [
            pltpu.async_copy(nat8_hbm.at[idx_v.at[q]],
                             buf_v.at[pl.ds(q * 128, 128)], sem)
            for q in range(NDMA)
        ]

        pltpu.sync_copy(dom_hbm.at[pl.ds(2 * base, NROW)], dom_v)
        zz = jnp.zeros((16,), jnp.float32)

        def zero_loop(i, c):
            for u in range(4):
                acc_v[pl.ds((i * 4 + u) * 16, 16)] = zz
            return c

        lax.fori_loop(0, (_L * _ACCW) // 64, zero_loop, 0)

        for cp in copies:
            cp.wait()

        j16 = lane & 1

        def bce(i2, c):
            for u in range(2):
                k0 = (i2 * 2 + u) * 16
                s16 = (k0 + lane) >> 1
                x = plsc.load_gather(buf_v, [j16 * SPT + s16, s16 & 7])
                y = plsc.load_gather(dom_v, [((s16 >> 7) << 8) + (j16 << 7)
                                             + (s16 & 127)])
                clsr = plsc.load_gather(cls_v, [s16])
                t = jnp.exp(-jnp.abs(x))
                lp = ((((((_LP6 * t + _LP5) * t + _LP4) * t + _LP3) * t
                        + _LP2) * t + _LP1) * t + _LP0)
                b_a = jnp.maximum(x, 0.0) - x * y + lp
                slot = lbase + clsr
                plsc.addupdate_scatter(acc_v, [slot], b_a)
                plsc.addupdate_scatter(acc_v, [slot + 64], ones)

                @pl.when(is_tgt)
                def _():
                    b_b = b_a + x * (2.0 * y - 1.0)
                    plsc.addupdate_scatter(acc_v, [slot + 128], b_b)

            return c

        lax.fori_loop(0, NROW // 32, bce, 0)

        def red(j, c):
            o = j * 16
            s = acc_v[pl.ds(o, 16)]
            for l in range(1, _L):
                s = s + acc_v[pl.ds(l * _ACCW + o, 16)]
            part_v[pl.ds(o, 16)] = s
            return c

        lax.fori_loop(0, _ACCW // 16, red, 0)
        pltpu.sync_copy(part_v, out_hbm.at[wid])

    return sc_main


def kernel(logits_list, labels, domain, target_start_id):
    del target_start_id
    C, B, _ = logits_list.shape
    SPT = B // _NW

    nblk = 4
    cls = pl.pallas_call(
        _argmax_body,
        grid=(nblk,),
        in_specs=[pl.BlockSpec((B // nblk, C), lambda i: (i, 0))],
        out_specs=pl.BlockSpec((B // nblk,), lambda i: (i,)),
        out_shape=jax.ShapeDtypeStruct((B,), jnp.int32),
    )(labels)

    nat8 = (logits_list.reshape(C, B // 128, 128, 2)
            .transpose(0, 1, 3, 2).reshape(C * B * 2 // 8, 8))
    dom_nat = (domain.reshape(B // 128, 128, 2)
               .transpose(0, 2, 1).reshape(2 * B))
    partials = _make_sc_main(B, SPT)(nat8, cls, dom_nat)

    out = pl.pallas_call(
        _finish_body,
        in_specs=[pl.BlockSpec((_NW, _ACCW), lambda: (0, 0))],
        out_specs=pl.BlockSpec((8, 128), lambda: (0, 0)),
        out_shape=jax.ShapeDtypeStruct((8, 128), jnp.float32),
    )(partials)
    return (out[0, 0], out[0, 1])

# --- scband reference (transcript-rebuilt; emitter-appended) ---
"""Pipeline reference for scband-conditional-domain-loss-35588099015102 (READ-ONLY COPY).

The authoritative reference and input builder live on the scoring server;
editing this copy changes nothing except your own understanding.
"""

import jax, jax.numpy as jnp
import numpy as np


def _bce_logits(x, y):
    # numerically stable binary_cross_entropy_with_logits (elementwise)
    return jnp.maximum(x, 0.0) - x * y + jnp.log1p(jnp.exp(-jnp.abs(x)))


def setup_inputs(seed: int = 0) -> dict:
    key = jax.random.key(seed)
    k1, k2, k3 = jax.random.split(key, 3)
    C, B = 64, 16384
    logits_list = jax.random.normal(k1, (C, B, 2), dtype=jnp.float32)  # stacked List[Tensor] of len C
    labels = jax.random.normal(k2, (B, C), dtype=jnp.float32)  # argmax gives class id
    domain = jax.random.randint(k3, (B, 2), 0, 2).astype(jnp.float32)  # 0/1 domain targets
    return {"logits_list": logits_list, "labels": labels, "domain": domain, "target_start_id": B // 2}


def reference(logits_list, labels, domain, target_start_id):
    s = logits_list.shape[1] // 2
    used = jnp.asarray(target_start_id, dtype=jnp.float32) * 0.0
    C = logits_list.shape[0]
    cls = jnp.argmax(labels, axis=1)  # [B]
    # onehot[c, b] = 1 if sample b belongs to class c (the per-class mask from the torch loop)
    onehot = (cls[None, :] == jnp.arange(C)[:, None]).astype(jnp.float32)  # [C, B]
    # lossA: source+target concatenated == full batch; mean of masked BCE per class
    bceA = _bce_logits(logits_list, domain[None, :, :])  # [C, B, 2]
    cntA = jnp.sum(onehot, axis=1) * 2.0  # selected elements per class (2 cols each)
    sumA = jnp.sum(bceA * onehot[:, :, None], axis=(1, 2))
    lossA = jnp.mean(sumA / jnp.maximum(cntA, 1.0)) + used
    # lossB: target half only, against logical_not(domain)
    adv_t = (domain[s:] == 0).astype(jnp.float32)  # [B-s, 2]
    mask_t = onehot[:, s:]  # [C, B-s]
    bceB = _bce_logits(logits_list[:, s:, :], adv_t[None, :, :])
    cntB = jnp.sum(mask_t, axis=1) * 2.0
    sumB = jnp.sum(bceB * mask_t[:, :, None], axis=(1, 2))
    lossB = jnp.mean(sumB / jnp.maximum(cntB, 1.0)) + used
    return (lossA, lossB)

if __name__ == "__main__":
    import jax
    _d = setup_inputs()
    print(jax.jit(kernel)(*tuple(_d.values())))

</pallas_src>

<mosaic_0001>
#map = affine_map<(d0, d1) -> (0, 0)>
#map1 = affine_map<(d0, d1) -> (0)>
module attributes {stable_mosaic.version = 14 : i64} {
  func.func @sc_main(%arg0: i32, %arg1: i32, %arg2: memref<262144x8xf32, #tpu.memory_space<hbm>>, %arg3: memref<16384xi32, #tpu.memory_space<hbm>>, %arg4: memref<32768xf32, #tpu.memory_space<hbm>>, %arg5: memref<32x256xf32, #tpu.memory_space<hbm>>, %arg6: memref<512xi32, #tpu.memory_space<vmem>>, %arg7: memref<8x128xi32, #tpu.memory_space<vmem>>, %arg8: memref<1024x8xf32, #tpu.memory_space<vmem>>, %arg9: memref<1024xf32, #tpu.memory_space<vmem>>, %arg10: memref<4096xf32, #tpu.memory_space<vmem>>, %arg11: memref<256xf32, #tpu.memory_space<vmem>>, %arg12: memref<!tpu.dma_semaphore, #tpu.memory_space<semaphore_mem>>) attributes {dimension_semantics = [#tpu.dimension_semantics<core_parallel>, #tpu.dimension_semantics<subcore_parallel>], iteration_bounds = array<i64: 2, 16>, scalar_prefetch = 0 : i64, scratch_operands = 7 : i64, tpu.core_type = #tpu.core_type<sc_vector_subcore>, window_params = [{transform_indices = #map}, {transform_indices = #map1}, {transform_indices = #map1}, {transform_indices = #map}]} {
    %mul3A = arith.constant 2 : i32
    %mul3A_0 = arith.muli %arg1, %mul3A : i32
    %add3A = arith.addi %mul3A_0, %arg0 : i32
    %mul3A_1 = arith.constant 512 : i32
    %mul3A_2 = arith.muli %add3A, %mul3A_1 : i32
    %iota3A = tpu.iota {dimensions = array<i32: 0>} : vector<16xi32>
    %broadcast_in_dim3A = arith.constant 1.000000e+00 : f32
    %broadcast_in_dim3A_3 = vector.broadcast %broadcast_in_dim3A : f32 to vector<16xf32>
    %mul3A_4 = arith.constant 256 : i32
    %mul3A_5 = vector.broadcast %mul3A_4 : i32 to vector<16xi32>
    %mul3A_6 = arith.muli %iota3A, %mul3A_5 : vector<16xi32>
    %ge3A = arith.constant 16 : i32
    %ge3A_7 = arith.cmpi sge, %add3A, %ge3A : i32
    "tpu.region"() ({
      %run_scoped3A = tpu.sem_alloc : memref<!tpu.dma_semaphore, #tpu.memory_space<semaphore_mem>>
      %dma_start3A_195 = tpu.memref_slice %arg3[%mul3A_2] : memref<16384xi32, #tpu.memory_space<hbm>> -> memref<512xi32, #tpu.memory_space<hbm>>
      %dma_start3A_196 = tpu.memref_slice %arg3[%mul3A_2] : memref<16384xi32, #tpu.memory_space<hbm>> -> memref<512xi32, #tpu.memory_space<hbm>>
      tpu.enqueue_dma source(%dma_start3A_196 : memref<512xi32, #tpu.memory_space<hbm>>) target(%arg6 : memref<512xi32, #tpu.memory_space<vmem>>) target_semaphore(%run_scoped3A : memref<!tpu.dma_semaphore, #tpu.memory_space<semaphore_mem>>)
      %dma_wait3A_197 = tpu.memref_slice %arg3[%mul3A_2] : memref<16384xi32, #tpu.memory_space<hbm>> -> memref<512xi32, #tpu.memory_space<hbm>>
      %dma_wait3A_198 = tpu.memref_slice %arg3[%mul3A_2] : memref<16384xi32, #tpu.memory_space<hbm>> -> memref<512xi32, #tpu.memory_space<hbm>>
      tpu.wait_dma2 semaphore(%run_scoped3A : memref<!tpu.dma_semaphore, #tpu.memory_space<semaphore_mem>>) src(%dma_wait3A_198 : memref<512xi32, #tpu.memory_space<hbm>>) dst(%arg6 : memref<512xi32, #tpu.memory_space<vmem>>)
      tpu.yield
    }) : () -> ()
    %scan3A = arith.constant 0 : i32
    %scan3A_8 = arith.constant 0 : i32
    %scan3A_9 = arith.constant 16 : i32
    %scan3A_10 = arith.addi %scan3A_8, %scan3A_9 : i32
    %scan3A_11 = arith.constant 1 : i32
    scf.for %scan3A_195 = %scan3A_8 to %scan3A_10 step %scan3A_11  : i32 {
      %mul3A_196 = arith.constant 2 : i32
      %mul3A_197 = arith.muli %scan3A_195, %mul3A_196 : i32
      %add3A_198 = arith.constant 0 : i32
      %add3A_199 = arith.addi %mul3A_197, %add3A_198 : i32
      %mul3A_200 = arith.constant 16 : i32
      %mul3A_201 = arith.muli %add3A_199, %mul3A_200 : i32
      %get3A = arith.index_cast %mul3A_201 : i32 to index
      %get3A_202 = tpu.vector_load %arg6[%get3A] {strides = array<i32>} : memref<512xi32, #tpu.memory_space<vmem>>, vector<16xi32>,
      %add3A_203 = arith.addi %mul3A_2, %mul3A_201 : i32
      %add3A_204 = vector.broadcast %add3A_203 : i32 to vector<16xi32>
      %add3A_205 = arith.addi %add3A_204, %iota3A : vector<16xi32>
      %mul3A_206 = arith.constant 4096 : i32
      %mul3A_207 = vector.broadcast %mul3A_206 : i32 to vector<16xi32>
      %mul3A_208 = arith.muli %get3A_202, %mul3A_207 : vector<16xi32>
      %shift_right_arithmetic3A = arith.constant 7 : i32
      %shift_right_arithmetic3A_209 = vector.broadcast %shift_right_arithmetic3A : i32 to vector<16xi32>
      %shift_right_arithmetic3A_210 = arith.shrsi %add3A_205, %shift_right_arithmetic3A_209 : vector<16xi32>
      %shift_left3A = arith.constant 5 : i32
      %shift_left3A_211 = vector.broadcast %shift_left3A : i32 to vector<16xi32>
      %shift_left3A_212 = arith.shli %shift_right_arithmetic3A_210, %shift_left3A_211 : vector<16xi32>
      %add3A_213 = arith.addi %mul3A_208, %shift_left3A_212 : vector<16xi32>
      %and3A_214 = arith.constant 127 : i32
      %and3A_215 = vector.broadcast %and3A_214 : i32 to vector<16xi32>
      %and3A_216 = arith.andi %add3A_205, %and3A_215 : vector<16xi32>
      %shift_right_arithmetic3A_217 = arith.constant 3 : i32
      %shift_right_arithmetic3A_218 = vector.broadcast %shift_right_arithmetic3A_217 : i32 to vector<16xi32>
      %shift_right_arithmetic3A_219 = arith.shrsi %and3A_216, %shift_right_arithmetic3A_218 : vector<16xi32>
      %add3A_220 = arith.addi %add3A_213, %shift_right_arithmetic3A_219 : vector<16xi32>
      %and3A_221 = arith.constant 7 : i32
      %and3A_222 = arith.andi %add3A_199, %and3A_221 : i32
      %mul3A_223 = arith.constant 16 : i32
      %mul3A_224 = arith.muli %and3A_222, %mul3A_223 : i32
      %shift_right_arithmetic3A_225 = arith.constant 3 : i32
      %shift_right_arithmetic3A_226 = arith.shrsi %add3A_199, %shift_right_arithmetic3A_225 : i32
      %swap3A = arith.index_cast %shift_right_arithmetic3A_226 : i32 to index
      %swap3A_227 = arith.index_cast %mul3A_224 : i32 to index
      %swap3A_228 = tpu.vector_load %arg7[%swap3A, %swap3A_227] {strides = array<i32>} : memref<8x128xi32, #tpu.memory_space<vmem>>, vector<16xi32>,
      tpu.vector_store %arg7[%swap3A, %swap3A_227], %add3A_220 {strides = array<i32>} : memref<8x128xi32, #tpu.memory_space<vmem>>, vector<16xi32>,
      %add3A_229 = arith.constant 16 : i32
      %add3A_230 = vector.broadcast %add3A_229 : i32 to vector<16xi32>
      %add3A_231 = arith.addi %add3A_220, %add3A_230 : vector<16xi32>
      %shift_right_arithmetic3A_232 = arith.constant 3 : i32
      %shift_right_arithmetic3A_233 = arith.shrsi %add3A_199, %shift_right_arithmetic3A_232 : i32
      %add3A_234 = arith.constant 4 : i32
      %add3A_235 = arith.addi %add3A_234, %shift_right_arithmetic3A_233 : i32
      %swap3A_236 = arith.index_cast %add3A_235 : i32 to index
      %swap3A_237 = arith.index_cast %mul3A_224 : i32 to index
      %swap3A_238 = tpu.vector_load %arg7[%swap3A_236, %swap3A_237] {strides = array<i32>} : memref<8x128xi32, #tpu.memory_space<vmem>>, vector<16xi32>,
      tpu.vector_store %arg7[%swap3A_236, %swap3A_237], %add3A_231 {strides = array<i32>} : memref<8x128xi32, #tpu.memory_space<vmem>>, vector<16xi32>,
      %mul3A_239 = arith.constant 2 : i32
      %mul3A_240 = arith.muli %scan3A_195, %mul3A_239 : i32
      %add3A_241 = arith.constant 1 : i32
      %add3A_242 = arith.addi %mul3A_240, %add3A_241 : i32
      %mul3A_243 = arith.constant 16 : i32
      %mul3A_244 = arith.muli %add3A_242, %mul3A_243 : i32
      %get3A_245 = arith.index_cast %mul3A_244 : i32 to index
      %get3A_246 = tpu.vector_load %arg6[%get3A_245] {strides = array<i32>} : memref<512xi32, #tpu.memory_space<vmem>>, vector<16xi32>,
      %add3A_247 = arith.addi %mul3A_2, %mul3A_244 : i32
      %add3A_248 = vector.broadcast %add3A_247 : i32 to vector<16xi32>
      %add3A_249 = arith.addi %add3A_248, %iota3A : vector<16xi32>
      %mul3A_250 = arith.constant 4096 : i32
      %mul3A_251 = vector.broadcast %mul3A_250 : i32 to vector<16xi32>
      %mul3A_252 = arith.muli %get3A_246, %mul3A_251 : vector<16xi32>
      %shift_right_arithmetic3A_253 = arith.constant 7 : i32
      %shift_right_arithmetic3A_254 = vector.broadcast %shift_right_arithmetic3A_253 : i32 to vector<16xi32>
      %shift_right_arithmetic3A_255 = arith.shrsi %add3A_249, %shift_right_arithmetic3A_254 : vector<16xi32>
      %shift_left3A_256 = arith.constant 5 : i32
      %shift_left3A_257 = vector.broadcast %shift_left3A_256 : i32 to vector<16xi32>
      %shift_left3A_258 = arith.shli %shift_right_arithmetic3A_255, %shift_left3A_257 : vector<16xi32>
      %add3A_259 = arith.addi %mul3A_252, %shift_left3A_258 : vector<16xi32>
      %and3A_260 = arith.constant 127 : i32
      %and3A_261 = vector.broadcast %and3A_260 : i32 to vector<16xi32>
      %and3A_262 = arith.andi %add3A_249, %and3A_261 : vector<16xi32>
      %shift_right_arithmetic3A_263 = arith.constant 3 : i32
      %shift_right_arithmetic3A_264 = vector.broadcast %shift_right_arithmetic3A_263 : i32 to vector<16xi32>
      %shift_right_arithmetic3A_265 = arith.shrsi %and3A_262, %shift_right_arithmetic3A_264 : vector<16xi32>
      %add3A_266 = arith.addi %add3A_259, %shift_right_arithmetic3A_265 : vector<16xi32>
      %and3A_267 = arith.constant 7 : i32
      %and3A_268 = arith.andi %add3A_242, %and3A_267 : i32
      %mul3A_269 = arith.constant 16 : i32
      %mul3A_270 = arith.muli %and3A_268, %mul3A_269 : i32
      %shift_right_arithmetic3A_271 = arith.constant 3 : i32
      %shift_right_arithmetic3A_272 = arith.shrsi %add3A_242, %shift_right_arithmetic3A_271 : i32
      %swap3A_273 = arith.index_cast %shift_right_arithmetic3A_272 : i32 to index
      %swap3A_274 = arith.index_cast %mul3A_270 : i32 to index
      %swap3A_275 = tpu.vector_load %arg7[%swap3A_273, %swap3A_274] {strides = array<i32>} : memref<8x128xi32, #tpu.memory_space<vmem>>, vector<16xi32>,
      tpu.vector_store %arg7[%swap3A_273, %swap3A_274], %add3A_266 {strides = array<i32>} : memref<8x128xi32, #tpu.memory_space<vmem>>, vector<16xi32>,
      %add3A_276 = arith.constant 16 : i32
      %add3A_277 = vector.broadcast %add3A_276 : i32 to vector<16xi32>
      %add3A_278 = arith.addi %add3A_266, %add3A_277 : vector<16xi32>
      %shift_right_arithmetic3A_279 = arith.constant 3 : i32
      %shift_right_arithmetic3A_280 = arith.shrsi %add3A_242, %shift_right_arithmetic3A_279 : i32
      %add3A_281 = arith.constant 4 : i32
      %add3A_282 = arith.addi %add3A_281, %shift_right_arithmetic3A_280 : i32
      %swap3A_283 = arith.index_cast %add3A_282 : i32 to index
      %swap3A_284 = arith.index_cast %mul3A_270 : i32 to index
      %swap3A_285 = tpu.vector_load %arg7[%swap3A_283, %swap3A_284] {strides = array<i32>} : memref<8x128xi32, #tpu.memory_space<vmem>>, vector<16xi32>,
      tpu.vector_store %arg7[%swap3A_283, %swap3A_284], %add3A_278 {strides = array<i32>} : memref<8x128xi32, #tpu.memory_space<vmem>>, vector<16xi32>,
    }
    %scan3A_12 = arith.constant 16 : i32
    %dma_start3A = arith.constant 0 : i32
    %dma_start3A_13 = arith.constant 0 : i32
    %dma_start3A_14 = arith.constant 0 : i32
    %dma_start3A_15 = tpu.memref_slice %arg8[%dma_start3A_13, %dma_start3A_14] : memref<1024x8xf32, #tpu.memory_space<vmem>> -> memref<128x8xf32, #tpu.memory_space<vmem>>
    %dma_start3A_16 = arith.constant 0 : i32
    %dma_start3A_17 = tpu.memref_slice %arg7[%dma_start3A, %dma_start3A_16] : memref<8x128xi32, #tpu.memory_space<vmem>> -> memref<1x128xi32, #tpu.memory_space<vmem>>
    %dma_start3A_18 = tpu.memref_squeeze %dma_start3A_17 : memref<1x128xi32, #tpu.memory_space<vmem>> -> memref<128xi32, #tpu.memory_space<vmem>>
    %dma_start3A_19 = arith.constant 0 : i32
    %dma_start3A_20 = arith.constant 0 : i32
    %dma_start3A_21 = tpu.memref_slice %arg2[%dma_start3A_19, %dma_start3A_20] : memref<262144x8xf32, #tpu.memory_space<hbm>> -> memref<262144x8xf32, #tpu.memory_space<hbm>>
    tpu.enqueue_indirect_dma source(%dma_start3A_21 : memref<262144x8xf32, #tpu.memory_space<hbm>>) target(%dma_start3A_15 : memref<128x8xf32, #tpu.memory_space<vmem>>) offsets(%dma_start3A_18 : memref<128xi32, #tpu.memory_space<vmem>>) semaphore(%arg12 : memref<!tpu.dma_semaphore, #tpu.memory_space<semaphore_mem>>)
    %dma_start3A_22 = arith.constant 1 : i32
    %dma_start3A_23 = arith.constant 128 : i32
    %dma_start3A_24 = arith.constant 0 : i32
    %dma_start3A_25 = tpu.memref_slice %arg8[%dma_start3A_23, %dma_start3A_24] : memref<1024x8xf32, #tpu.memory_space<vmem>> -> memref<128x8xf32, #tpu.memory_space<vmem>>
    %dma_start3A_26 = arith.constant 0 : i32
    %dma_start3A_27 = tpu.memref_slice %arg7[%dma_start3A_22, %dma_start3A_26] : memref<8x128xi32, #tpu.memory_space<vmem>> -> memref<1x128xi32, #tpu.memory_space<vmem>>
    %dma_start3A_28 = tpu.memref_squeeze %dma_start3A_27 : memref<1x128xi32, #tpu.memory_space<vmem>> -> memref<128xi32, #tpu.memory_space<vmem>>
    %dma_start3A_29 = arith.constant 0 : i32
    %dma_start3A_30 = arith.constant 0 : i32
    %dma_start3A_31 = tpu.memref_slice %arg2[%dma_start3A_29, %dma_start3A_30] : memref<262144x8xf32, #tpu.memory_space<hbm>> -> memref<262144x8xf32, #tpu.memory_space<hbm>>
    tpu.enqueue_indirect_dma source(%dma_start3A_31 : memref<262144x8xf32, #tpu.memory_space<hbm>>) target(%dma_start3A_25 : memref<128x8xf32, #tpu.memory_space<vmem>>) offsets(%dma_start3A_28 : memref<128xi32, #tpu.memory_space<vmem>>) semaphore(%arg12 : memref<!tpu.dma_semaphore, #tpu.memory_space<semaphore_mem>>)
    %dma_start3A_32 = arith.constant 2 : i32
    %dma_start3A_33 = arith.constant 256 : i32
    %dma_start3A_34 = arith.constant 0 : i32
    %dma_start3A_35 = tpu.memref_slice %arg8[%dma_start3A_33, %dma_start3A_34] : memref<1024x8xf32, #tpu.memory_space<vmem>> -> memref<128x8xf32, #tpu.memory_space<vmem>>
    %dma_start3A_36 = arith.constant 0 : i32
    %dma_start3A_37 = tpu.memref_slice %arg7[%dma_start3A_32, %dma_start3A_36] : memref<8x128xi32, #tpu.memory_space<vmem>> -> memref<1x128xi32, #tpu.memory_space<vmem>>
    %dma_start3A_38 = tpu.memref_squeeze %dma_start3A_37 : memref<1x128xi32, #tpu.memory_space<vmem>> -> memref<128xi32, #tpu.memory_space<vmem>>
    %dma_start3A_39 = arith.constant 0 : i32
    %dma_start3A_40 = arith.constant 0 : i32
    %dma_start3A_41 = tpu.memref_slice %arg2[%dma_start3A_39, %dma_start3A_40] : memref<262144x8xf32, #tpu.memory_space<hbm>> -> memref<262144x8xf32, #tpu.memory_space<hbm>>
    tpu.enqueue_indirect_dma source(%dma_start3A_41 : memref<262144x8xf32, #tpu.memory_space<hbm>>) target(%dma_start3A_35 : memref<128x8xf32, #tpu.memory_space<vmem>>) offsets(%dma_start3A_38 : memref<128xi32, #tpu.memory_space<vmem>>) semaphore(%arg12 : memref<!tpu.dma_semaphore, #tpu.memory_space<semaphore_mem>>)
    %dma_start3A_42 = arith.constant 3 : i32
    %dma_start3A_43 = arith.constant 384 : i32
    %dma_start3A_44 = arith.constant 0 : i32
    %dma_start3A_45 = tpu.memref_slice %arg8[%dma_start3A_43, %dma_start3A_44] : memref<1024x8xf32, #tpu.memory_space<vmem>> -> memref<128x8xf32, #tpu.memory_space<vmem>>
    %dma_start3A_46 = arith.constant 0 : i32
    %dma_start3A_47 = tpu.memref_slice %arg7[%dma_start3A_42, %dma_start3A_46] : memref<8x128xi32, #tpu.memory_space<vmem>> -> memref<1x128xi32, #tpu.memory_space<vmem>>
    %dma_start3A_48 = tpu.memref_squeeze %dma_start3A_47 : memref<1x128xi32, #tpu.memory_space<vmem>> -> memref<128xi32, #tpu.memory_space<vmem>>
    %dma_start3A_49 = arith.constant 0 : i32
    %dma_start3A_50 = arith.constant 0 : i32
    %dma_start3A_51 = tpu.memref_slice %arg2[%dma_start3A_49, %dma_start3A_50] : memref<262144x8xf32, #tpu.memory_space<hbm>> -> memref<262144x8xf32, #tpu.memory_space<hbm>>
    tpu.enqueue_indirect_dma source(%dma_start3A_51 : memref<262144x8xf32, #tpu.memory_space<hbm>>) target(%dma_start3A_45 : memref<128x8xf32, #tpu.memory_space<vmem>>) offsets(%dma_start3A_48 : memref<128xi32, #tpu.memory_space<vmem>>) semaphore(%arg12 : memref<!tpu.dma_semaphore, #tpu.memory_space<semaphore_mem>>)
    %dma_start3A_52 = arith.constant 4 : i32
    %dma_start3A_53 = arith.constant 512 : i32
    %dma_start3A_54 = arith.constant 0 : i32
    %dma_start3A_55 = tpu.memref_slice %arg8[%dma_start3A_53, %dma_start3A_54] : memref<1024x8xf32, #tpu.memory_space<vmem>> -> memref<128x8xf32, #tpu.memory_space<vmem>>
    %dma_start3A_56 = arith.constant 0 : i32
    %dma_start3A_57 = tpu.memref_slice %arg7[%dma_start3A_52, %dma_start3A_56] : memref<8x128xi32, #tpu.memory_space<vmem>> -> memref<1x128xi32, #tpu.memory_space<vmem>>
    %dma_start3A_58 = tpu.memref_squeeze %dma_start3A_57 : memref<1x128xi32, #tpu.memory_space<vmem>> -> memref<128xi32, #tpu.memory_space<vmem>>
    %dma_start3A_59 = arith.constant 0 : i32
    %dma_start3A_60 = arith.constant 0 : i32
    %dma_start3A_61 = tpu.memref_slice %arg2[%dma_start3A_59, %dma_start3A_60] : memref<262144x8xf32, #tpu.memory_space<hbm>> -> memref<262144x8xf32, #tpu.memory_space<hbm>>
    tpu.enqueue_indirect_dma source(%dma_start3A_61 : memref<262144x8xf32, #tpu.memory_space<hbm>>) target(%dma_start3A_55 : memref<128x8xf32, #tpu.memory_space<vmem>>) offsets(%dma_start3A_58 : memref<128xi32, #tpu.memory_space<vmem>>) semaphore(%arg12 : memref<!tpu.dma_semaphore, #tpu.memory_space<semaphore_mem>>)
    %dma_start3A_62 = arith.constant 5 : i32
    %dma_start3A_63 = arith.constant 640 : i32
    %dma_start3A_64 = arith.constant 0 : i32
    %dma_start3A_65 = tpu.memref_slice %arg8[%dma_start3A_63, %dma_start3A_64] : memref<1024x8xf32, #tpu.memory_space<vmem>> -> memref<128x8xf32, #tpu.memory_space<vmem>>
    %dma_start3A_66 = arith.constant 0 : i32
    %dma_start3A_67 = tpu.memref_slice %arg7[%dma_start3A_62, %dma_start3A_66] : memref<8x128xi32, #tpu.memory_space<vmem>> -> memref<1x128xi32, #tpu.memory_space<vmem>>
    %dma_start3A_68 = tpu.memref_squeeze %dma_start3A_67 : memref<1x128xi32, #tpu.memory_space<vmem>> -> memref<128xi32, #tpu.memory_space<vmem>>
    %dma_start3A_69 = arith.constant 0 : i32
    %dma_start3A_70 = arith.constant 0 : i32
    %dma_start3A_71 = tpu.memref_slice %arg2[%dma_start3A_69, %dma_start3A_70] : memref<262144x8xf32, #tpu.memory_space<hbm>> -> memref<262144x8xf32, #tpu.memory_space<hbm>>
    tpu.enqueue_indirect_dma source(%dma_start3A_71 : memref<262144x8xf32, #tpu.memory_space<hbm>>) target(%dma_start3A_65 : memref<128x8xf32, #tpu.memory_space<vmem>>) offsets(%dma_start3A_68 : memref<128xi32, #tpu.memory_space<vmem>>) semaphore(%arg12 : memref<!tpu.dma_semaphore, #tpu.memory_space<semaphore_mem>>)
    %dma_start3A_72 = arith.constant 6 : i32
    %dma_start3A_73 = arith.constant 768 : i32
    %dma_start3A_74 = arith.constant 0 : i32
    %dma_start3A_75 = tpu.memref_slice %arg8[%dma_start3A_73, %dma_start3A_74] : memref<1024x8xf32, #tpu.memory_space<vmem>> -> memref<128x8xf32, #tpu.memory_space<vmem>>
    %dma_start3A_76 = arith.constant 0 : i32
    %dma_start3A_77 = tpu.memref_slice %arg7[%dma_start3A_72, %dma_start3A_76] : memref<8x128xi32, #tpu.memory_space<vmem>> -> memref<1x128xi32, #tpu.memory_space<vmem>>
    %dma_start3A_78 = tpu.memref_squeeze %dma_start3A_77 : memref<1x128xi32, #tpu.memory_space<vmem>> -> memref<128xi32, #tpu.memory_space<vmem>>
    %dma_start3A_79 = arith.constant 0 : i32
    %dma_start3A_80 = arith.constant 0 : i32
    %dma_start3A_81 = tpu.memref_slice %arg2[%dma_start3A_79, %dma_start3A_80] : memref<262144x8xf32, #tpu.memory_space<hbm>> -> memref<262144x8xf32, #tpu.memory_space<hbm>>
    tpu.enqueue_indirect_dma source(%dma_start3A_81 : memref<262144x8xf32, #tpu.memory_space<hbm>>) target(%dma_start3A_75 : memref<128x8xf32, #tpu.memory_space<vmem>>) offsets(%dma_start3A_78 : memref<128xi32, #tpu.memory_space<vmem>>) semaphore(%arg12 : memref<!tpu.dma_semaphore, #tpu.memory_space<semaphore_mem>>)
    %dma_start3A_82 = arith.constant 7 : i32
    %dma_start3A_83 = arith.constant 896 : i32
    %dma_start3A_84 = arith.constant 0 : i32
    %dma_start3A_85 = tpu.memref_slice %arg8[%dma_start3A_83, %dma_start3A_84] : memref<1024x8xf32, #tpu.memory_space<vmem>> -> memref<128x8xf32, #tpu.memory_space<vmem>>
    %dma_start3A_86 = arith.constant 0 : i32
    %dma_start3A_87 = tpu.memref_slice %arg7[%dma_start3A_82, %dma_start3A_86] : memref<8x128xi32, #tpu.memory_space<vmem>> -> memref<1x128xi32, #tpu.memory_space<vmem>>
    %dma_start3A_88 = tpu.memref_squeeze %dma_start3A_87 : memref<1x128xi32, #tpu.memory_space<vmem>> -> memref<128xi32, #tpu.memory_space<vmem>>
    %dma_start3A_89 = arith.constant 0 : i32
    %dma_start3A_90 = arith.constant 0 : i32
    %dma_start3A_91 = tpu.memref_slice %arg2[%dma_start3A_89, %dma_start3A_90] : memref<262144x8xf32, #tpu.memory_space<hbm>> -> memref<262144x8xf32, #tpu.memory_space<hbm>>
    tpu.enqueue_indirect_dma source(%dma_start3A_91 : memref<262144x8xf32, #tpu.memory_space<hbm>>) target(%dma_start3A_85 : memref<128x8xf32, #tpu.memory_space<vmem>>) offsets(%dma_start3A_88 : memref<128xi32, #tpu.memory_space<vmem>>) semaphore(%arg12 : memref<!tpu.dma_semaphore, #tpu.memory_space<semaphore_mem>>)
    %mul3A_92 = arith.constant 2 : i32
    %mul3A_93 = arith.muli %mul3A_92, %mul3A_2 : i32
    "tpu.region"() ({
      %run_scoped3A = tpu.sem_alloc : memref<!tpu.dma_semaphore, #tpu.memory_space<semaphore_mem>>
      %dma_start3A_195 = tpu.memref_slice %arg4[%mul3A_93] : memref<32768xf32, #tpu.memory_space<hbm>> -> memref<1024xf32, #tpu.memory_space<hbm>>
      %dma_start3A_196 = tpu.memref_slice %arg4[%mul3A_93] : memref<32768xf32, #tpu.memory_space<hbm>> -> memref<1024xf32, #tpu.memory_space<hbm>>
      tpu.enqueue_dma source(%dma_start3A_196 : memref<1024xf32, #tpu.memory_space<hbm>>) target(%arg9 : memref<1024xf32, #tpu.memory_space<vmem>>) target_semaphore(%run_scoped3A : memref<!tpu.dma_semaphore, #tpu.memory_space<semaphore_mem>>)
      %dma_wait3A_197 = tpu.memref_slice %arg4[%mul3A_93] : memref<32768xf32, #tpu.memory_space<hbm>> -> memref<1024xf32, #tpu.memory_space<hbm>>
      %dma_wait3A_198 = tpu.memref_slice %arg4[%mul3A_93] : memref<32768xf32, #tpu.memory_space<hbm>> -> memref<1024xf32, #tpu.memory_space<hbm>>
      tpu.wait_dma2 semaphore(%run_scoped3A : memref<!tpu.dma_semaphore, #tpu.memory_space<semaphore_mem>>) src(%dma_wait3A_198 : memref<1024xf32, #tpu.memory_space<hbm>>) dst(%arg9 : memref<1024xf32, #tpu.memory_space<vmem>>)
      tpu.yield
    }) : () -> ()
    %broadcast_in_dim3A_94 = arith.constant 0.000000e+00 : f32
    %broadcast_in_dim3A_95 = vector.broadcast %broadcast_in_dim3A_94 : f32 to vector<16xf32>
    %scan3A_96 = arith.constant 0 : i32
    %scan3A_97 = arith.constant 0 : i32
    %scan3A_98 = arith.constant 64 : i32
    %scan3A_99 = arith.addi %scan3A_97, %scan3A_98 : i32
    %scan3A_100 = arith.constant 1 : i32
    scf.for %scan3A_195 = %scan3A_97 to %scan3A_99 step %scan3A_100  : i32 {
      %mul3A_196 = arith.constant 4 : i32
      %mul3A_197 = arith.muli %scan3A_195, %mul3A_196 : i32
      %add3A_198 = arith.constant 0 : i32
      %add3A_199 = arith.addi %mul3A_197, %add3A_198 : i32
      %mul3A_200 = arith.constant 16 : i32
      %mul3A_201 = arith.muli %add3A_199, %mul3A_200 : i32
      %swap3A = arith.index_cast %mul3A_201 : i32 to index
      %swap3A_202 = tpu.vector_load %arg10[%swap3A] {strides = array<i32>} : memref<4096xf32, #tpu.memory_space<vmem>>, vector<16xf32>,
      tpu.vector_store %arg10[%swap3A], %broadcast_in_dim3A_95 {strides = array<i32>} : memref<4096xf32, #tpu.memory_space<vmem>>, vector<16xf32>,
      %mul3A_203 = arith.constant 4 : i32
      %mul3A_204 = arith.muli %scan3A_195, %mul3A_203 : i32
      %add3A_205 = arith.constant 1 : i32
      %add3A_206 = arith.addi %mul3A_204, %add3A_205 : i32
      %mul3A_207 = arith.constant 16 : i32
      %mul3A_208 = arith.muli %add3A_206, %mul3A_207 : i32
      %swap3A_209 = arith.index_cast %mul3A_208 : i32 to index
      %swap3A_210 = tpu.vector_load %arg10[%swap3A_209] {strides = array<i32>} : memref<4096xf32, #tpu.memory_space<vmem>>, vector<16xf32>,
      tpu.vector_store %arg10[%swap3A_209], %broadcast_in_dim3A_95 {strides = array<i32>} : memref<4096xf32, #tpu.memory_space<vmem>>, vector<16xf32>,
      %mul3A_211 = arith.constant 4 : i32
      %mul3A_212 = arith.muli %scan3A_195, %mul3A_211 : i32
      %add3A_213 = arith.constant 2 : i32
      %add3A_214 = arith.addi %mul3A_212, %add3A_213 : i32
      %mul3A_215 = arith.constant 16 : i32
      %mul3A_216 = arith.muli %add3A_214, %mul3A_215 : i32
      %swap3A_217 = arith.index_cast %mul3A_216 : i32 to index
      %swap3A_218 = tpu.vector_load %arg10[%swap3A_217] {strides = array<i32>} : memref<4096xf32, #tpu.memory_space<vmem>>, vector<16xf32>,
      tpu.vector_store %arg10[%swap3A_217], %broadcast_in_dim3A_95 {strides = array<i32>} : memref<4096xf32, #tpu.memory_space<vmem>>, vector<16xf32>,
      %mul3A_219 = arith.constant 4 : i32
      %mul3A_220 = arith.muli %scan3A_195, %mul3A_219 : i32
      %add3A_221 = arith.constant 3 : i32
      %add3A_222 = arith.addi %mul3A_220, %add3A_221 : i32
      %mul3A_223 = arith.constant 16 : i32
      %mul3A_224 = arith.muli %add3A_222, %mul3A_223 : i32
      %swap3A_225 = arith.index_cast %mul3A_224 : i32 to index
      %swap3A_226 = tpu.vector_load %arg10[%swap3A_225] {strides = array<i32>} : memref<4096xf32, #tpu.memory_space<vmem>>, vector<16xf32>,
      tpu.vector_store %arg10[%swap3A_225], %broadcast_in_dim3A_95 {strides = array<i32>} : memref<4096xf32, #tpu.memory_space<vmem>>, vector<16xf32>,
    }
    %scan3A_101 = arith.constant 64 : i32
    %dma_wait3A = arith.constant 0 : i32
    %dma_wait3A_102 = arith.constant 0 : i32
    %dma_wait3A_103 = arith.constant 0 : i32
    %dma_wait3A_104 = tpu.memref_slice %arg8[%dma_wait3A_102, %dma_wait3A_103] : memref<1024x8xf32, #tpu.memory_space<vmem>> -> memref<128x8xf32, #tpu.memory_space<vmem>>
    %dma_wait3A_105 = arith.constant 0 : i32
    %dma_wait3A_106 = tpu.memref_slice %arg7[%dma_wait3A, %dma_wait3A_105] : memref<8x128xi32, #tpu.memory_space<vmem>> -> memref<1x128xi32, #tpu.memory_space<vmem>>
    %dma_wait3A_107 = tpu.memref_squeeze %dma_wait3A_106 : memref<1x128xi32, #tpu.memory_space<vmem>> -> memref<128xi32, #tpu.memory_space<vmem>>
    %dma_wait3A_108 = arith.constant 0 : i32
    %dma_wait3A_109 = arith.constant 0 : i32
    %dma_wait3A_110 = tpu.memref_slice %arg2[%dma_wait3A_108, %dma_wait3A_109] : memref<262144x8xf32, #tpu.memory_space<hbm>> -> memref<262144x8xf32, #tpu.memory_space<hbm>>
    tpu.wait_indirect_dma semaphore(%arg12 : memref<!tpu.dma_semaphore, #tpu.memory_space<semaphore_mem>>) src(%dma_wait3A_110 : memref<262144x8xf32, #tpu.memory_space<hbm>>) dst(%dma_wait3A_104 : memref<128x8xf32, #tpu.memory_space<vmem>>)
    %dma_wait3A_111 = arith.constant 1 : i32
    %dma_wait3A_112 = arith.constant 128 : i32
    %dma_wait3A_113 = arith.constant 0 : i32
    %dma_wait3A_114 = tpu.memref_slice %arg8[%dma_wait3A_112, %dma_wait3A_113] : memref<1024x8xf32, #tpu.memory_space<vmem>> -> memref<128x8xf32, #tpu.memory_space<vmem>>
    %dma_wait3A_115 = arith.constant 0 : i32
    %dma_wait3A_116 = tpu.memref_slice %arg7[%dma_wait3A_111, %dma_wait3A_115] : memref<8x128xi32, #tpu.memory_space<vmem>> -> memref<1x128xi32, #tpu.memory_space<vmem>>
    %dma_wait3A_117 = tpu.memref_squeeze %dma_wait3A_116 : memref<1x128xi32, #tpu.memory_space<vmem>> -> memref<128xi32, #tpu.memory_space<vmem>>
    %dma_wait3A_118 = arith.constant 0 : i32
    %dma_wait3A_119 = arith.constant 0 : i32
    %dma_wait3A_120 = tpu.memref_slice %arg2[%dma_wait3A_118, %dma_wait3A_119] : memref<262144x8xf32, #tpu.memory_space<hbm>> -> memref<262144x8xf32, #tpu.memory_space<hbm>>
    tpu.wait_indirect_dma semaphore(%arg12 : memref<!tpu.dma_semaphore, #tpu.memory_space<semaphore_mem>>) src(%dma_wait3A_120 : memref<262144x8xf32, #tpu.memory_space<hbm>>) dst(%dma_wait3A_114 : memref<128x8xf32, #tpu.memory_space<vmem>>)
    %dma_wait3A_121 = arith.constant 2 : i32
    %dma_wait3A_122 = arith.constant 256 : i32
    %dma_wait3A_123 = arith.constant 0 : i32
    %dma_wait3A_124 = tpu.memref_slice %arg8[%dma_wait3A_122, %dma_wait3A_123] : memref<1024x8xf32, #tpu.memory_space<vmem>> -> memref<128x8xf32, #tpu.memory_space<vmem>>
    %dma_wait3A_125 = arith.constant 0 : i32
    %dma_wait3A_126 = tpu.memref_slice %arg7[%dma_wait3A_121, %dma_wait3A_125] : memref<8x128xi32, #tpu.memory_space<vmem>> -> memref<1x128xi32, #tpu.memory_space<vmem>>
    %dma_wait3A_127 = tpu.memref_squeeze %dma_wait3A_126 : memref<1x128xi32, #tpu.memory_space<vmem>> -> memref<128xi32, #tpu.memory_space<vmem>>
    %dma_wait3A_128 = arith.constant 0 : i32
    %dma_wait3A_129 = arith.constant 0 : i32
    %dma_wait3A_130 = tpu.memref_slice %arg2[%dma_wait3A_128, %dma_wait3A_129] : memref<262144x8xf32, #tpu.memory_space<hbm>> -> memref<262144x8xf32, #tpu.memory_space<hbm>>
    tpu.wait_indirect_dma semaphore(%arg12 : memref<!tpu.dma_semaphore, #tpu.memory_space<semaphore_mem>>) src(%dma_wait3A_130 : memref<262144x8xf32, #tpu.memory_space<hbm>>) dst(%dma_wait3A_124 : memref<128x8xf32, #tpu.memory_space<vmem>>)
    %dma_wait3A_131 = arith.constant 3 : i32
    %dma_wait3A_132 = arith.constant 384 : i32
    %dma_wait3A_133 = arith.constant 0 : i32
    %dma_wait3A_134 = tpu.memref_slice %arg8[%dma_wait3A_132, %dma_wait3A_133] : memref<1024x8xf32, #tpu.memory_space<vmem>> -> memref<128x8xf32, #tpu.memory_space<vmem>>
    %dma_wait3A_135 = arith.constant 0 : i32
    %dma_wait3A_136 = tpu.memref_slice %arg7[%dma_wait3A_131, %dma_wait3A_135] : memref<8x128xi32, #tpu.memory_space<vmem>> -> memref<1x128xi32, #tpu.memory_space<vmem>>
    %dma_wait3A_137 = tpu.memref_squeeze %dma_wait3A_136 : memref<1x128xi32, #tpu.memory_space<vmem>> -> memref<128xi32, #tpu.memory_space<vmem>>
    %dma_wait3A_138 = arith.constant 0 : i32
    %dma_wait3A_139 = arith.constant 0 : i32
    %dma_wait3A_140 = tpu.memref_slice %arg2[%dma_wait3A_138, %dma_wait3A_139] : memref<262144x8xf32, #tpu.memory_space<hbm>> -> memref<262144x8xf32, #tpu.memory_space<hbm>>
    tpu.wait_indirect_dma semaphore(%arg12 : memref<!tpu.dma_semaphore, #tpu.memory_space<semaphore_mem>>) src(%dma_wait3A_140 : memref<262144x8xf32, #tpu.memory_space<hbm>>) dst(%dma_wait3A_134 : memref<128x8xf32, #tpu.memory_space<vmem>>)
    %dma_wait3A_141 = arith.constant 4 : i32
    %dma_wait3A_142 = arith.constant 512 : i32
    %dma_wait3A_143 = arith.constant 0 : i32
    %dma_wait3A_144 = tpu.memref_slice %arg8[%dma_wait3A_142, %dma_wait3A_143] : memref<1024x8xf32, #tpu.memory_space<vmem>> -> memref<128x8xf32, #tpu.memory_space<vmem>>
    %dma_wait3A_145 = arith.constant 0 : i32
    %dma_wait3A_146 = tpu.memref_slice %arg7[%dma_wait3A_141, %dma_wait3A_145] : memref<8x128xi32, #tpu.memory_space<vmem>> -> memref<1x128xi32, #tpu.memory_space<vmem>>
    %dma_wait3A_147 = tpu.memref_squeeze %dma_wait3A_146 : memref<1x128xi32, #tpu.memory_space<vmem>> -> memref<128xi32, #tpu.memory_space<vmem>>
    %dma_wait3A_148 = arith.constant 0 : i32
    %dma_wait3A_149 = arith.constant 0 : i32
    %dma_wait3A_150 = tpu.memref_slice %arg2[%dma_wait3A_148, %dma_wait3A_149] : memref<262144x8xf32, #tpu.memory_space<hbm>> -> memref<262144x8xf32, #tpu.memory_space<hbm>>
    tpu.wait_indirect_dma semaphore(%arg12 : memref<!tpu.dma_semaphore, #tpu.memory_space<semaphore_mem>>) src(%dma_wait3A_150 : memref<262144x8xf32, #tpu.memory_space<hbm>>) dst(%dma_wait3A_144 : memref<128x8xf32, #tpu.memory_space<vmem>>)
    %dma_wait3A_151 = arith.constant 5 : i32
    %dma_wait3A_152 = arith.constant 640 : i32
    %dma_wait3A_153 = arith.constant 0 : i32
    %dma_wait3A_154 = tpu.memref_slice %arg8[%dma_wait3A_152, %dma_wait3A_153] : memref<1024x8xf32, #tpu.memory_space<vmem>> -> memref<128x8xf32, #tpu.memory_space<vmem>>
    %dma_wait3A_155 = arith.constant 0 : i32
    %dma_wait3A_156 = tpu.memref_slice %arg7[%dma_wait3A_151, %dma_wait3A_155] : memref<8x128xi32, #tpu.memory_space<vmem>> -> memref<1x128xi32, #tpu.memory_space<vmem>>
    %dma_wait3A_157 = tpu.memref_squeeze %dma_wait3A_156 : memref<1x128xi32, #tpu.memory_space<vmem>> -> memref<128xi32, #tpu.memory_space<vmem>>
    %dma_wait3A_158 = arith.constant 0 : i32
    %dma_wait3A_159 = arith.constant 0 : i32
    %dma_wait3A_160 = tpu.memref_slice %arg2[%dma_wait3A_158, %dma_wait3A_159] : memref<262144x8xf32, #tpu.memory_space<hbm>> -> memref<262144x8xf32, #tpu.memory_space<hbm>>
    tpu.wait_indirect_dma semaphore(%arg12 : memref<!tpu.dma_semaphore, #tpu.memory_space<semaphore_mem>>) src(%dma_wait3A_160 : memref<262144x8xf32, #tpu.memory_space<hbm>>) dst(%dma_wait3A_154 : memref<128x8xf32, #tpu.memory_space<vmem>>)
    %dma_wait3A_161 = arith.constant 6 : i32
    %dma_wait3A_162 = arith.constant 768 : i32
    %dma_wait3A_163 = arith.constant 0 : i32
    %dma_wait3A_164 = tpu.memref_slice %arg8[%dma_wait3A_162, %dma_wait3A_163] : memref<1024x8xf32, #tpu.memory_space<vmem>> -> memref<128x8xf32, #tpu.memory_space<vmem>>
    %dma_wait3A_165 = arith.constant 0 : i32
    %dma_wait3A_166 = tpu.memref_slice %arg7[%dma_wait3A_161, %dma_wait3A_165] : memref<8x128xi32, #tpu.memory_space<vmem>> -> memref<1x128xi32, #tpu.memory_space<vmem>>
    %dma_wait3A_167 = tpu.memref_squeeze %dma_wait3A_166 : memref<1x128xi32, #tpu.memory_space<vmem>> -> memref<128xi32, #tpu.memory_space<vmem>>
    %dma_wait3A_168 = arith.constant 0 : i32
    %dma_wait3A_169 = arith.constant 0 : i32
    %dma_wait3A_170 = tpu.memref_slice %arg2[%dma_wait3A_168, %dma_wait3A_169] : memref<262144x8xf32, #tpu.memory_space<hbm>> -> memref<262144x8xf32, #tpu.memory_space<hbm>>
    tpu.wait_indirect_dma semaphore(%arg12 : memref<!tpu.dma_semaphore, #tpu.memory_space<semaphore_mem>>) src(%dma_wait3A_170 : memref<262144x8xf32, #tpu.memory_space<hbm>>) dst(%dma_wait3A_164 : memref<128x8xf32, #tpu.memory_space<vmem>>)
    %dma_wait3A_171 = arith.constant 7 : i32
    %dma_wait3A_172 = arith.constant 896 : i32
    %dma_wait3A_173 = arith.constant 0 : i32
    %dma_wait3A_174 = tpu.memref_slice %arg8[%dma_wait3A_172, %dma_wait3A_173] : memref<1024x8xf32, #tpu.memory_space<vmem>> -> memref<128x8xf32, #tpu.memory_space<vmem>>
    %dma_wait3A_175 = arith.constant 0 : i32
    %dma_wait3A_176 = tpu.memref_slice %arg7[%dma_wait3A_171, %dma_wait3A_175] : memref<8x128xi32, #tpu.memory_space<vmem>> -> memref<1x128xi32, #tpu.memory_space<vmem>>
    %dma_wait3A_177 = tpu.memref_squeeze %dma_wait3A_176 : memref<1x128xi32, #tpu.memory_space<vmem>> -> memref<128xi32, #tpu.memory_space<vmem>>
    %dma_wait3A_178 = arith.constant 0 : i32
    %dma_wait3A_179 = arith.constant 0 : i32
    %dma_wait3A_180 = tpu.memref_slice %arg2[%dma_wait3A_178, %dma_wait3A_179] : memref<262144x8xf32, #tpu.memory_space<hbm>> -> memref<262144x8xf32, #tpu.memory_space<hbm>>
    tpu.wait_indirect_dma semaphore(%arg12 : memref<!tpu.dma_semaphore, #tpu.memory_space<semaphore_mem>>) src(%dma_wait3A_180 : memref<262144x8xf32, #tpu.memory_space<hbm>>) dst(%dma_wait3A_174 : memref<128x8xf32, #tpu.memory_space<vmem>>)
    %and3A = arith.constant 1 : i32
    %and3A_181 = vector.broadcast %and3A : i32 to vector<16xi32>
    %and3A_182 = arith.andi %iota3A, %and3A_181 : vector<16xi32>
    %scan3A_183 = arith.constant 0 : i32
    %scan3A_184 = arith.constant 0 : i32
    %scan3A_185 = arith.constant 32 : i32
    %scan3A_186 = arith.addi %scan3A_184, %scan3A_185 : i32
    %scan3A_187 = arith.constant 1 : i32
    scf.for %scan3A_195 = %scan3A_184 to %scan3A_186 step %scan3A_187  : i32 {
      %mul3A_196 = arith.constant 2 : i32
      %mul3A_197 = arith.muli %scan3A_195, %mul3A_196 : i32
      %add3A_198 = arith.constant 0 : i32
      %add3A_199 = arith.addi %mul3A_197, %add3A_198 : i32
      %mul3A_200 = arith.constant 16 : i32
      %mul3A_201 = arith.muli %add3A_199, %mul3A_200 : i32
      %add3A_202 = vector.broadcast %mul3A_201 : i32 to vector<16xi32>
      %add3A_203 = arith.addi %add3A_202, %iota3A : vector<16xi32>
      %shift_right_arithmetic3A = arith.constant 1 : i32
      %shift_right_arithmetic3A_204 = vector.broadcast %shift_right_arithmetic3A : i32 to vector<16xi32>
      %shift_right_arithmetic3A_205 = arith.shrsi %add3A_203, %shift_right_arithmetic3A_204 : vector<16xi32>
      %mul3A_206 = arith.constant 512 : i32
      %mul3A_207 = vector.broadcast %mul3A_206 : i32 to vector<16xi32>
      %mul3A_208 = arith.muli %and3A_182, %mul3A_207 : vector<16xi32>
      %add3A_209 = arith.addi %mul3A_208, %shift_right_arithmetic3A_205 : vector<16xi32>
      %and3A_210 = arith.constant 7 : i32
      %and3A_211 = vector.broadcast %and3A_210 : i32 to vector<16xi32>
      %and3A_212 = arith.andi %shift_right_arithmetic3A_205, %and3A_211 : vector<16xi32>
      %gather3A = tpu.vector_load_idx %arg8[%add3A_209, %and3A_212] : memref<1024x8xf32, #tpu.memory_space<vmem>>[vector<16xi32>, vector<16xi32>], vector<16xf32>,
      %shift_right_arithmetic3A_213 = arith.constant 7 : i32
      %shift_right_arithmetic3A_214 = vector.broadcast %shift_right_arithmetic3A_213 : i32 to vector<16xi32>
      %shift_right_arithmetic3A_215 = arith.shrsi %shift_right_arithmetic3A_205, %shift_right_arithmetic3A_214 : vector<16xi32>
      %shift_left3A = arith.constant 8 : i32
      %shift_left3A_216 = vector.broadcast %shift_left3A : i32 to vector<16xi32>
      %shift_left3A_217 = arith.shli %shift_right_arithmetic3A_215, %shift_left3A_216 : vector<16xi32>
      %shift_left3A_218 = arith.constant 7 : i32
      %shift_left3A_219 = vector.broadcast %shift_left3A_218 : i32 to vector<16xi32>
      %shift_left3A_220 = arith.shli %and3A_182, %shift_left3A_219 : vector<16xi32>
      %add3A_221 = arith.addi %shift_left3A_217, %shift_left3A_220 : vector<16xi32>
      %and3A_222 = arith.constant 127 : i32
      %and3A_223 = vector.broadcast %and3A_222 : i32 to vector<16xi32>
      %and3A_224 = arith.andi %shift_right_arithmetic3A_205, %and3A_223 : vector<16xi32>
      %add3A_225 = arith.addi %add3A_221, %and3A_224 : vector<16xi32>
      %gather3A_226 = tpu.vector_load_idx %arg9[%add3A_225] : memref<1024xf32, #tpu.memory_space<vmem>>[vector<16xi32>], vector<16xf32>,
      %gather3A_227 = tpu.vector_load_idx %arg6[%shift_right_arithmetic3A_205] : memref<512xi32, #tpu.memory_space<vmem>>[vector<16xi32>], vector<16xi32>,
      %abs3A = math.absf %gather3A : vector<16xf32>
      %neg3A = arith.constant 0.000000e+00 : f32
      %neg3A_228 = vector.broadcast %neg3A : f32 to vector<16xf32>
      %neg3A_229 = arith.subf %neg3A_228, %abs3A : vector<16xf32>
      %exp3A = math.exp %neg3A_229 : vector<16xf32>
      %mul3A_230 = arith.constant -0.0170296114 : f32
      %mul3A_231 = vector.broadcast %mul3A_230 : f32 to vector<16xf32>
      %mul3A_232 = arith.mulf %mul3A_231, %exp3A : vector<16xf32>
      %add3A_233 = arith.constant 0.08152318 : f32
      %add3A_234 = vector.broadcast %add3A_233 : f32 to vector<16xf32>
      %add3A_235 = arith.addf %mul3A_232, %add3A_234 : vector<16xf32>
      %mul3A_236 = arith.mulf %add3A_235, %exp3A : vector<16xf32>
      %add3A_237 = arith.constant -0.189019546 : f32
      %add3A_238 = vector.broadcast %add3A_237 : f32 to vector<16xf32>
      %add3A_239 = arith.addf %mul3A_236, %add3A_238 : vector<16xf32>
      %mul3A_240 = arith.mulf %add3A_239, %exp3A : vector<16xf32>
      %add3A_241 = arith.constant 0.315041274 : f32
      %add3A_242 = vector.broadcast %add3A_241 : f32 to vector<16xf32>
      %add3A_243 = arith.addf %mul3A_240, %add3A_242 : vector<16xf32>
      %mul3A_244 = arith.mulf %add3A_243, %exp3A : vector<16xf32>
      %add3A_245 = arith.constant -0.49720332 : f32
      %add3A_246 = vector.broadcast %add3A_245 : f32 to vector<16xf32>
      %add3A_247 = arith.addf %mul3A_244, %add3A_246 : vector<16xf32>
      %mul3A_248 = arith.mulf %add3A_247, %exp3A : vector<16xf32>
      %add3A_249 = arith.constant 0.99983257 : f32
      %add3A_250 = vector.broadcast %add3A_249 : f32 to vector<16xf32>
      %add3A_251 = arith.addf %mul3A_248, %add3A_250 : vector<16xf32>
      %mul3A_252 = arith.mulf %add3A_251, %exp3A : vector<16xf32>
      %add3A_253 = arith.constant 1.69366263E-6 : f32
      %add3A_254 = vector.broadcast %add3A_253 : f32 to vector<16xf32>
      %add3A_255 = arith.addf %mul3A_252, %add3A_254 : vector<16xf32>
      %max3A = arith.constant 0.000000e+00 : f32
      %max3A_256 = vector.broadcast %max3A : f32 to vector<16xf32>
      %max3A_257 = arith.maximumf %gather3A, %max3A_256 : vector<16xf32>
      %mul3A_258 = arith.mulf %gather3A, %gather3A_226 : vector<16xf32>
      %sub3A = arith.subf %max3A_257, %mul3A_258 : vector<16xf32>
      %add3A_259 = arith.addf %sub3A, %add3A_255 : vector<16xf32>
      %add3A_260 = arith.addi %mul3A_6, %gather3A_227 : vector<16xi32>
      tpu.vector_store_idx %arg10[%add3A_260], %add3A_259 {add = true} : memref<4096xf32, #tpu.memory_space<vmem>>[vector<16xi32>], vector<16xf32>,
      %add3A_261 = arith.constant 64 : i32
      %add3A_262 = vector.broadcast %add3A_261 : i32 to vector<16xi32>
      %add3A_263 = arith.addi %add3A_260, %add3A_262 : vector<16xi32>
      tpu.vector_store_idx %arg10[%add3A_263], %broadcast_in_dim3A_3 {add = true} : memref<4096xf32, #tpu.memory_space<vmem>>[vector<16xi32>], vector<16xf32>,
      %convert_element_type3A = arith.extui %ge3A_7 : i1 to i32
      %cond3A = arith.constant 0 : i32
      %cond3A_264 = arith.cmpi ne, %convert_element_type3A, %cond3A : i32
      scf.if %cond3A_264 {
        %mul3A_344 = arith.constant 2.000000e+00 : f32
        %mul3A_345 = vector.broadcast %mul3A_344 : f32 to vector<16xf32>
        %mul3A_346 = arith.mulf %mul3A_345, %gather3A_226 : vector<16xf32>
        %sub3A_347 = arith.constant 1.000000e+00 : f32
        %sub3A_348 = vector.broadcast %sub3A_347 : f32 to vector<16xf32>
        %sub3A_349 = arith.subf %mul3A_346, %sub3A_348 : vector<16xf32>
        %mul3A_350 = arith.mulf %gather3A, %sub3A_349 : vector<16xf32>
        %add3A_351 = arith.addf %add3A_259, %mul3A_350 : vector<16xf32>
        %add3A_352 = arith.constant 128 : i32
        %add3A_353 = vector.broadcast %add3A_352 : i32 to vector<16xi32>
        %add3A_354 = arith.addi %add3A_260, %add3A_353 : vector<16xi32>
        tpu.vector_store_idx %arg10[%add3A_354], %add3A_351 {add = true} : memref<4096xf32, #tpu.memory_space<vmem>>[vector<16xi32>], vector<16xf32>,
      } else {
      }
      %mul3A_265 = arith.constant 2 : i32
      %mul3A_266 = arith.muli %scan3A_195, %mul3A_265 : i32
      %add3A_267 = arith.constant 1 : i32
      %add3A_268 = arith.addi %mul3A_266, %add3A_267 : i32
      %mul3A_269 = arith.constant 16 : i32
      %mul3A_270 = arith.muli %add3A_268, %mul3A_269 : i32
      %add3A_271 = vector.broadcast %mul3A_270 : i32 to vector<16xi32>
      %add3A_272 = arith.addi %add3A_271, %iota3A : vector<16xi32>
      %shift_right_arithmetic3A_273 = arith.constant 1 : i32
      %shift_right_arithmetic3A_274 = vector.broadcast %shift_right_arithmetic3A_273 : i32 to vector<16xi32>
      %shift_right_arithmetic3A_275 = arith.shrsi %add3A_272, %shift_right_arithmetic3A_274 : vector<16xi32>
      %mul3A_276 = arith.constant 512 : i32
      %mul3A_277 = vector.broadcast %mul3A_276 : i32 to vector<16xi32>
      %mul3A_278 = arith.muli %and3A_182, %mul3A_277 : vector<16xi32>
      %add3A_279 = arith.addi %mul3A_278, %shift_right_arithmetic3A_275 : vector<16xi32>
      %and3A_280 = arith.constant 7 : i32
      %and3A_281 = vector.broadcast %and3A_280 : i32 to vector<16xi32>
      %and3A_282 = arith.andi %shift_right_arithmetic3A_275, %and3A_281 : vector<16xi32>
      %gather3A_283 = tpu.vector_load_idx %arg8[%add3A_279, %and3A_282] : memref<1024x8xf32, #tpu.memory_space<vmem>>[vector<16xi32>, vector<16xi32>], vector<16xf32>,
      %shift_right_arithmetic3A_284 = arith.constant 7 : i32
      %shift_right_arithmetic3A_285 = vector.broadcast %shift_right_arithmetic3A_284 : i32 to vector<16xi32>
      %shift_right_arithmetic3A_286 = arith.shrsi %shift_right_arithmetic3A_275, %shift_right_arithmetic3A_285 : vector<16xi32>
      %shift_left3A_287 = arith.constant 8 : i32
      %shift_left3A_288 = vector.broadcast %shift_left3A_287 : i32 to vector<16xi32>
      %shift_left3A_289 = arith.shli %shift_right_arithmetic3A_286, %shift_left3A_288 : vector<16xi32>
      %shift_left3A_290 = arith.constant 7 : i32
      %shift_left3A_291 = vector.broadcast %shift_left3A_290 : i32 to vector<16xi32>
      %shift_left3A_292 = arith.shli %and3A_182, %shift_left3A_291 : vector<16xi32>
      %add3A_293 = arith.addi %shift_left3A_289, %shift_left3A_292 : vector<16xi32>
      %and3A_294 = arith.constant 127 : i32
      %and3A_295 = vector.broadcast %and3A_294 : i32 to vector<16xi32>
      %and3A_296 = arith.andi %shift_right_arithmetic3A_275, %and3A_295 : vector<16xi32>
      %add3A_297 = arith.addi %add3A_293, %and3A_296 : vector<16xi32>
      %gather3A_298 = tpu.vector_load_idx %arg9[%add3A_297] : memref<1024xf32, #tpu.memory_space<vmem>>[vector<16xi32>], vector<16xf32>,
      %gather3A_299 = tpu.vector_load_idx %arg6[%shift_right_arithmetic3A_275] : memref<512xi32, #tpu.memory_space<vmem>>[vector<16xi32>], vector<16xi32>,
      %abs3A_300 = math.absf %gather3A_283 : vector<16xf32>
      %neg3A_301 = arith.constant 0.000000e+00 : f32
      %neg3A_302 = vector.broadcast %neg3A_301 : f32 to vector<16xf32>
      %neg3A_303 = arith.subf %neg3A_302, %abs3A_300 : vector<16xf32>
      %exp3A_304 = math.exp %neg3A_303 : vector<16xf32>
      %mul3A_305 = arith.constant -0.0170296114 : f32
      %mul3A_306 = vector.broadcast %mul3A_305 : f32 to vector<16xf32>
      %mul3A_307 = arith.mulf %mul3A_306, %exp3A_304 : vector<16xf32>
      %add3A_308 = arith.constant 0.08152318 : f32
      %add3A_309 = vector.broadcast %add3A_308 : f32 to vector<16xf32>
      %add3A_310 = arith.addf %mul3A_307, %add3A_309 : vector<16xf32>
      %mul3A_311 = arith.mulf %add3A_310, %exp3A_304 : vector<16xf32>
      %add3A_312 = arith.constant -0.189019546 : f32
      %add3A_313 = vector.broadcast %add3A_312 : f32 to vector<16xf32>
      %add3A_314 = arith.addf %mul3A_311, %add3A_313 : vector<16xf32>
      %mul3A_315 = arith.mulf %add3A_314, %exp3A_304 : vector<16xf32>
      %add3A_316 = arith.constant 0.315041274 : f32
      %add3A_317 = vector.broadcast %add3A_316 : f32 to vector<16xf32>
      %add3A_318 = arith.addf %mul3A_315, %add3A_317 : vector<16xf32>
      %mul3A_319 = arith.mulf %add3A_318, %exp3A_304 : vector<16xf32>
      %add3A_320 = arith.constant -0.49720332 : f32
      %add3A_321 = vector.broadcast %add3A_320 : f32 to vector<16xf32>
      %add3A_322 = arith.addf %mul3A_319, %add3A_321 : vector<16xf32>
      %mul3A_323 = arith.mulf %add3A_322, %exp3A_304 : vector<16xf32>
      %add3A_324 = arith.constant 0.99983257 : f32
      %add3A_325 = vector.broadcast %add3A_324 : f32 to vector<16xf32>
      %add3A_326 = arith.addf %mul3A_323, %add3A_325 : vector<16xf32>
      %mul3A_327 = arith.mulf %add3A_326, %exp3A_304 : vector<16xf32>
      %add3A_328 = arith.constant 1.69366263E-6 : f32
      %add3A_329 = vector.broadcast %add3A_328 : f32 to vector<16xf32>
      %add3A_330 = arith.addf %mul3A_327, %add3A_329 : vector<16xf32>
      %max3A_331 = arith.constant 0.000000e+00 : f32
      %max3A_332 = vector.broadcast %max3A_331 : f32 to vector<16xf32>
      %max3A_333 = arith.maximumf %gather3A_283, %max3A_332 : vector<16xf32>
      %mul3A_334 = arith.mulf %gather3A_283, %gather3A_298 : vector<16xf32>
      %sub3A_335 = arith.subf %max3A_333, %mul3A_334 : vector<16xf32>
      %add3A_336 = arith.addf %sub3A_335, %add3A_330 : vector<16xf32>
      %add3A_337 = arith.addi %mul3A_6, %gather3A_299 : vector<16xi32>
      tpu.vector_store_idx %arg10[%add3A_337], %add3A_336 {add = true} : memref<4096xf32, #tpu.memory_space<vmem>>[vector<16xi32>], vector<16xf32>,
      %add3A_338 = arith.constant 64 : i32
      %add3A_339 = vector.broadcast %add3A_338 : i32 to vector<16xi32>
      %add3A_340 = arith.addi %add3A_337, %add3A_339 : vector<16xi32>
      tpu.vector_store_idx %arg10[%add3A_340], %broadcast_in_dim3A_3 {add = true} : memref<4096xf32, #tpu.memory_space<vmem>>[vector<16xi32>], vector<16xf32>,
      %convert_element_type3A_341 = arith.extui %ge3A_7 : i1 to i32
      %cond3A_342 = arith.constant 0 : i32
      %cond3A_343 = arith.cmpi ne, %convert_element_type3A_341, %cond3A_342 : i32
      scf.if %cond3A_343 {
        %mul3A_344 = arith.constant 2.000000e+00 : f32
        %mul3A_345 = vector.broadcast %mul3A_344 : f32 to vector<16xf32>
        %mul3A_346 = arith.mulf %mul3A_345, %gather3A_298 : vector<16xf32>
        %sub3A_347 = arith.constant 1.000000e+00 : f32
        %sub3A_348 = vector.broadcast %sub3A_347 : f32 to vector<16xf32>
        %sub3A_349 = arith.subf %mul3A_346, %sub3A_348 : vector<16xf32>
        %mul3A_350 = arith.mulf %gather3A_283, %sub3A_349 : vector<16xf32>
        %add3A_351 = arith.addf %add3A_336, %mul3A_350 : vector<16xf32>
        %add3A_352 = arith.constant 128 : i32
        %add3A_353 = vector.broadcast %add3A_352 : i32 to vector<16xi32>
        %add3A_354 = arith.addi %add3A_337, %add3A_353 : vector<16xi32>
        tpu.vector_store_idx %arg10[%add3A_354], %add3A_351 {add = true} : memref<4096xf32, #tpu.memory_space<vmem>>[vector<16xi32>], vector<16xf32>,
      } else {
      }
    }
    %scan3A_188 = arith.constant 32 : i32
    %scan3A_189 = arith.constant 0 : i32
    %scan3A_190 = arith.constant 0 : i32
    %scan3A_191 = arith.constant 16 : i32
    %scan3A_192 = arith.addi %scan3A_190, %scan3A_191 : i32
    %scan3A_193 = arith.constant 1 : i32
    scf.for %scan3A_195 = %scan3A_190 to %scan3A_192 step %scan3A_193  : i32 {
      %mul3A_196 = arith.constant 16 : i32
      %mul3A_197 = arith.muli %scan3A_195, %mul3A_196 : i32
      %get3A = arith.index_cast %mul3A_197 : i32 to index
      %get3A_198 = tpu.vector_load %arg10[%get3A] {strides = array<i32>} : memref<4096xf32, #tpu.memory_space<vmem>>, vector<16xf32>,
      %add3A_199 = arith.constant 256 : i32
      %add3A_200 = arith.addi %add3A_199, %mul3A_197 : i32
      %get3A_201 = arith.index_cast %add3A_200 : i32 to index
      %get3A_202 = tpu.vector_load %arg10[%get3A_201] {strides = array<i32>} : memref<4096xf32, #tpu.memory_space<vmem>>, vector<16xf32>,
      %add3A_203 = arith.addf %get3A_198, %get3A_202 : vector<16xf32>
      %add3A_204 = arith.constant 512 : i32
      %add3A_205 = arith.addi %add3A_204, %mul3A_197 : i32
      %get3A_206 = arith.index_cast %add3A_205 : i32 to index
      %get3A_207 = tpu.vector_load %arg10[%get3A_206] {strides = array<i32>} : memref<4096xf32, #tpu.memory_space<vmem>>, vector<16xf32>,
      %add3A_208 = arith.addf %add3A_203, %get3A_207 : vector<16xf32>
      %add3A_209 = arith.constant 768 : i32
      %add3A_210 = arith.addi %add3A_209, %mul3A_197 : i32
      %get3A_211 = arith.index_cast %add3A_210 : i32 to index
      %get3A_212 = tpu.vector_load %arg10[%get3A_211] {strides = array<i32>} : memref<4096xf32, #tpu.memory_space<vmem>>, vector<16xf32>,
      %add3A_213 = arith.addf %add3A_208, %get3A_212 : vector<16xf32>
      %add3A_214 = arith.constant 1024 : i32
      %add3A_215 = arith.addi %add3A_214, %mul3A_197 : i32
      %get3A_216 = arith.index_cast %add3A_215 : i32 to index
      %get3A_217 = tpu.vector_load %arg10[%get3A_216] {strides = array<i32>} : memref<4096xf32, #tpu.memory_space<vmem>>, vector<16xf32>,
      %add3A_218 = arith.addf %add3A_213, %get3A_217 : vector<16xf32>
      %add3A_219 = arith.constant 1280 : i32
      %add3A_220 = arith.addi %add3A_219, %mul3A_197 : i32
      %get3A_221 = arith.index_cast %add3A_220 : i32 to index
      %get3A_222 = tpu.vector_load %arg10[%get3A_221] {strides = array<i32>} : memref<4096xf32, #tpu.memory_space<vmem>>, vector<16xf32>,
      %add3A_223 = arith.addf %add3A_218, %get3A_222 : vector<16xf32>
      %add3A_224 = arith.constant 1536 : i32
      %add3A_225 = arith.addi %add3A_224, %mul3A_197 : i32
      %get3A_226 = arith.index_cast %add3A_225 : i32 to index
      %get3A_227 = tpu.vector_load %arg10[%get3A_226] {strides = array<i32>} : memref<4096xf32, #tpu.memory_space<vmem>>, vector<16xf32>,
      %add3A_228 = arith.addf %add3A_223, %get3A_227 : vector<16xf32>
      %add3A_229 = arith.constant 1792 : i32
      %add3A_230 = arith.addi %add3A_229, %mul3A_197 : i32
      %get3A_231 = arith.index_cast %add3A_230 : i32 to index
      %get3A_232 = tpu.vector_load %arg10[%get3A_231] {strides = array<i32>} : memref<4096xf32, #tpu.memory_space<vmem>>, vector<16xf32>,
      %add3A_233 = arith.addf %add3A_228, %get3A_232 : vector<16xf32>
      %add3A_234 = arith.constant 2048 : i32
      %add3A_235 = arith.addi %add3A_234, %mul3A_197 : i32
      %get3A_236 = arith.index_cast %add3A_235 : i32 to index
      %get3A_237 = tpu.vector_load %arg10[%get3A_236] {strides = array<i32>} : memref<4096xf32, #tpu.memory_space<vmem>>, vector<16xf32>,
      %add3A_238 = arith.addf %add3A_233, %get3A_237 : vector<16xf32>
      %add3A_239 = arith.constant 2304 : i32
      %add3A_240 = arith.addi %add3A_239, %mul3A_197 : i32
      %get3A_241 = arith.index_cast %add3A_240 : i32 to index
      %get3A_242 = tpu.vector_load %arg10[%get3A_241] {strides = array<i32>} : memref<4096xf32, #tpu.memory_space<vmem>>, vector<16xf32>,
      %add3A_243 = arith.addf %add3A_238, %get3A_242 : vector<16xf32>
      %add3A_244 = arith.constant 2560 : i32
      %add3A_245 = arith.addi %add3A_244, %mul3A_197 : i32
      %get3A_246 = arith.index_cast %add3A_245 : i32 to index
      %get3A_247 = tpu.vector_load %arg10[%get3A_246] {strides = array<i32>} : memref<4096xf32, #tpu.memory_space<vmem>>, vector<16xf32>,
      %add3A_248 = arith.addf %add3A_243, %get3A_247 : vector<16xf32>
      %add3A_249 = arith.constant 2816 : i32
      %add3A_250 = arith.addi %add3A_249, %mul3A_197 : i32
      %get3A_251 = arith.index_cast %add3A_250 : i32 to index
      %get3A_252 = tpu.vector_load %arg10[%get3A_251] {strides = array<i32>} : memref<4096xf32, #tpu.memory_space<vmem>>, vector<16xf32>,
      %add3A_253 = arith.addf %add3A_248, %get3A_252 : vector<16xf32>
      %add3A_254 = arith.constant 3072 : i32
      %add3A_255 = arith.addi %add3A_254, %mul3A_197 : i32
      %get3A_256 = arith.index_cast %add3A_255 : i32 to index
      %get3A_257 = tpu.vector_load %arg10[%get3A_256] {strides = array<i32>} : memref<4096xf32, #tpu.memory_space<vmem>>, vector<16xf32>,
      %add3A_258 = arith.addf %add3A_253, %get3A_257 : vector<16xf32>
      %add3A_259 = arith.constant 3328 : i32
      %add3A_260 = arith.addi %add3A_259, %mul3A_197 : i32
      %get3A_261 = arith.index_cast %add3A_260 : i32 to index
      %get3A_262 = tpu.vector_load %arg10[%get3A_261] {strides = array<i32>} : memref<4096xf32, #tpu.memory_space<vmem>>, vector<16xf32>,
      %add3A_263 = arith.addf %add3A_258, %get3A_262 : vector<16xf32>
      %add3A_264 = arith.constant 3584 : i32
      %add3A_265 = arith.addi %add3A_264, %mul3A_197 : i32
      %get3A_266 = arith.index_cast %add3A_265 : i32 to index
      %get3A_267 = tpu.vector_load %arg10[%get3A_266] {strides = array<i32>} : memref<4096xf32, #tpu.memory_space<vmem>>, vector<16xf32>,
      %add3A_268 = arith.addf %add3A_263, %get3A_267 : vector<16xf32>
      %add3A_269 = arith.constant 3840 : i32
      %add3A_270 = arith.addi %add3A_269, %mul3A_197 : i32
      %get3A_271 = arith.index_cast %add3A_270 : i32 to index
      %get3A_272 = tpu.vector_load %arg10[%get3A_271] {strides = array<i32>} : memref<4096xf32, #tpu.memory_space<vmem>>, vector<16xf32>,
      %add3A_273 = arith.addf %add3A_268, %get3A_272 : vector<16xf32>
      %swap3A = arith.index_cast %mul3A_197 : i32 to index
      %swap3A_274 = tpu.vector_load %arg11[%swap3A] {strides = array<i32>} : memref<256xf32, #tpu.memory_space<vmem>>, vector<16xf32>,
      tpu.vector_store %arg11[%swap3A], %add3A_273 {strides = array<i32>} : memref<256xf32, #tpu.memory_space<vmem>>, vector<16xf32>,
    }
    %scan3A_194 = arith.constant 16 : i32
    "tpu.region"() ({
      %run_scoped3A = tpu.sem_alloc : memref<!tpu.dma_semaphore, #tpu.memory_space<semaphore_mem>>
      %dma_start3A_195 = arith.constant 0 : i32
      %dma_start3A_196 = tpu.memref_slice %arg5[%add3A, %dma_start3A_195] : memref<32x256xf32, #tpu.memory_space<hbm>> -> memref<1x256xf32, #tpu.memory_space<hbm>>
      %dma_start3A_197 = tpu.memref_squeeze %dma_start3A_196 : memref<1x256xf32, #tpu.memory_space<hbm>> -> memref<256xf32, #tpu.memory_space<hbm>>
      %dma_start3A_198 = arith.constant 0 : i32
      %dma_start3A_199 = tpu.memref_slice %arg5[%add3A, %dma_start3A_198] : memref<32x256xf32, #tpu.memory_space<hbm>> -> memref<1x256xf32, #tpu.memory_space<hbm>>
      %dma_start3A_200 = tpu.memref_squeeze %dma_start3A_199 : memref<1x256xf32, #tpu.memory_space<hbm>> -> memref<256xf32, #tpu.memory_space<hbm>>
      tpu.enqueue_dma source(%arg11 : memref<256xf32, #tpu.memory_space<vmem>>) target(%dma_start3A_200 : memref<256xf32, #tpu.memory_space<hbm>>) target_semaphore(%run_scoped3A : memref<!tpu.dma_semaphore, #tpu.memory_space<semaphore_mem>>)
      %dma_wait3A_201 = arith.constant 0 : i32
      %dma_wait3A_202 = tpu.memref_slice %arg5[%add3A, %dma_wait3A_201] : memref<32x256xf32, #tpu.memory_space<hbm>> -> memref<1x256xf32, #tpu.memory_space<hbm>>
      %dma_wait3A_203 = tpu.memref_squeeze %dma_wait3A_202 : memref<1x256xf32, #tpu.memory_space<hbm>> -> memref<256xf32, #tpu.memory_space<hbm>>
      %dma_wait3A_204 = arith.constant 0 : i32
      %dma_wait3A_205 = tpu.memref_slice %arg5[%add3A, %dma_wait3A_204] : memref<32x256xf32, #tpu.memory_space<hbm>> -> memref<1x256xf32, #tpu.memory_space<hbm>>
      %dma_wait3A_206 = tpu.memref_squeeze %dma_wait3A_205 : memref<1x256xf32, #tpu.memory_space<hbm>> -> memref<256xf32, #tpu.memory_space<hbm>>
      tpu.wait_dma2 semaphore(%run_scoped3A : memref<!tpu.dma_semaphore, #tpu.memory_space<semaphore_mem>>) src(%arg11 : memref<256xf32, #tpu.memory_space<vmem>>) dst(%dma_wait3A_206 : memref<256xf32, #tpu.memory_space<hbm>>)
      tpu.yield
    }) : () -> ()
    return
  }
}

module attributes {stable_mosaic.version = 14 : i64} {
  func.func @_argmax_body(%arg0: i32, %arg1: memref<4096x64xf32, #tpu.memory_space<vmem>>, %arg2: memref<4096xi32, #tpu.memory_space<vmem>>) attributes {dimension_semantics = [#tpu.dimension_semantics<arbitrary>], iteration_bounds = array<i64: 4>, scalar_prefetch = 0 : i64, scratch_operands = 0 : i64, tpu.core_type = #tpu.core_type<tc>, window_params = [{transform_indices = @transform_0, window_bounds = array<i64: 4096, 64>}, {transform_indices = @transform_1, window_bounds = array<i64: 4096>}]} {
    %get3A = arith.constant 0 : index
    %get3A_0 = arith.constant 0 : index
    %get3A_1 = vector.load %arg1[%get3A, %get3A_0] : memref<4096x64xf32, #tpu.memory_space<vmem>>, vector<4096x64xf32>
    %argmax3A = tpu.reduce_index %get3A_1 {axis = 1 : i32, kind = #tpu.reduction_kind<arg_max>} : vector<4096x64xf32> -> vector<4096xi32>
    %swap3A = arith.constant 0 : index
    %swap3A_2 = vector.load %arg2[%swap3A] : memref<4096xi32, #tpu.memory_space<vmem>>, vector<4096xi32>
    tpu.vector_store %arg2[%swap3A], %argmax3A {strides = array<i32>} : memref<4096xi32, #tpu.memory_space<vmem>>, vector<4096xi32>,
    return
  }
  func.func @transform_0(%arg0: i32) -> (i32, i32) {
    %c0_i32 = arith.constant 0 : i32
    %c0_i32_0 = arith.constant 0 : i32
    return %arg0, %c0_i32 : i32, i32
  }
  func.func @transform_1(%arg0: i32) -> i32 {
    %c0_i32 = arith.constant 0 : i32
    return %arg0 : i32
  }
}

module attributes {stable_mosaic.version = 14 : i64} {
  func.func @_finish_body(%arg0: memref<32x256xf32, #tpu.memory_space<vmem>>, %arg1: memref<8x128xf32, #tpu.memory_space<vmem>>) attributes {dimension_semantics = [], scalar_prefetch = 0 : i64, scratch_operands = 0 : i64, tpu.core_type = #tpu.core_type<tc>} {
    %get3A = arith.constant 0 : index
    %get3A_0 = arith.constant 0 : index
    %get3A_1 = vector.load %arg0[%get3A, %get3A_0] : memref<32x256xf32, #tpu.memory_space<vmem>>, vector<32x256xf32>
    %reduce_sum3A = arith.constant dense<0.000000e+00> : vector<256xf32>
    %reduce_sum3A_2 = vector.multi_reduction <add>, %get3A_1, %reduce_sum3A [0] : vector<32x256xf32> to vector<256xf32>
    %slice3A = vector.extract_strided_slice %reduce_sum3A_2 {offsets = [0], sizes = [64], strides = [1]} : vector<256xf32> to vector<64xf32>
    %slice3A_3 = vector.extract_strided_slice %reduce_sum3A_2 {offsets = [64], sizes = [64], strides = [1]} : vector<256xf32> to vector<64xf32>
    %slice3A_4 = vector.extract_strided_slice %reduce_sum3A_2 {offsets = [128], sizes = [64], strides = [1]} : vector<256xf32> to vector<64xf32>
    %slice3A_5 = vector.extract_strided_slice %get3A_1 {offsets = [16, 64], sizes = [16, 64], strides = [1, 1]} : vector<32x256xf32> to vector<16x64xf32>
    %reduce_sum3A_6 = arith.constant dense<0.000000e+00> : vector<64xf32>
    %reduce_sum3A_7 = vector.multi_reduction <add>, %slice3A_5, %reduce_sum3A_6 [0] : vector<16x64xf32> to vector<64xf32>
    %max3A = arith.constant 1.000000e+00 : f32
    %max3A_8 = vector.broadcast %max3A : f32 to vector<64xf32>
    %max3A_9 = arith.maximumf %slice3A_3, %max3A_8 : vector<64xf32>
    %div3A = arith.divf %slice3A, %max3A_9 : vector<64xf32>
    %reduce_sum3A_10 = vector.shape_cast %div3A : vector<64xf32> to vector<1x64xf32>
    %reduce_sum3A_11 = arith.constant dense<0.000000e+00> : vector<1xf32>
    %reduce_sum3A_12 = vector.multi_reduction <add>, %reduce_sum3A_10, %reduce_sum3A_11 [1] : vector<1x64xf32> to vector<1xf32>
    %reduce_sum3A_13 = vector.shape_cast %reduce_sum3A_12 : vector<1xf32> to vector<1x1xf32>
    %reduce_sum3A_14 = vector.extract %reduce_sum3A_13[0, 0] : f32 from vector<1x1xf32>
    %div3A_15 = arith.constant 6.400000e+01 : f32
    %div3A_16 = arith.divf %reduce_sum3A_14, %div3A_15 : f32
    %max3A_17 = arith.constant 1.000000e+00 : f32
    %max3A_18 = vector.broadcast %max3A_17 : f32 to vector<64xf32>
    %max3A_19 = arith.maximumf %reduce_sum3A_7, %max3A_18 : vector<64xf32>
    %div3A_20 = arith.divf %slice3A_4, %max3A_19 : vector<64xf32>
    %reduce_sum3A_21 = vector.shape_cast %div3A_20 : vector<64xf32> to vector<1x64xf32>
    %reduce_sum3A_22 = arith.constant dense<0.000000e+00> : vector<1xf32>
    %reduce_sum3A_23 = vector.multi_reduction <add>, %reduce_sum3A_21, %reduce_sum3A_22 [1] : vector<1x64xf32> to vector<1xf32>
    %reduce_sum3A_24 = vector.shape_cast %reduce_sum3A_23 : vector<1xf32> to vector<1x1xf32>
    %reduce_sum3A_25 = vector.extract %reduce_sum3A_24[0, 0] : f32 from vector<1x1xf32>
    %div3A_26 = arith.constant 6.400000e+01 : f32
    %div3A_27 = arith.divf %reduce_sum3A_25, %div3A_26 : f32
    %iota3A = tpu.iota {dimensions = array<i32: 0>} : vector<8x128xi32>
    %iota3A_28 = tpu.iota {dimensions = array<i32: 1>} : vector<8x128xi32>
    %eq3A = arith.constant 0 : i32
    %eq3A_29 = vector.broadcast %eq3A : i32 to vector<8x128xi32>
    %eq3A_30 = arith.cmpi eq, %iota3A, %eq3A_29 : vector<8x128xi32>
    %eq3A_31 = arith.constant 0 : i32
    %eq3A_32 = vector.broadcast %eq3A_31 : i32 to vector<8x128xi32>
    %eq3A_33 = arith.cmpi eq, %iota3A_28, %eq3A_32 : vector<8x128xi32>
    %and3A = arith.andi %eq3A_30, %eq3A_33 : vector<8x128xi1>
    %eq3A_34 = arith.constant 0 : i32
    %eq3A_35 = vector.broadcast %eq3A_34 : i32 to vector<8x128xi32>
    %eq3A_36 = arith.cmpi eq, %iota3A, %eq3A_35 : vector<8x128xi32>
    %eq3A_37 = arith.constant 1 : i32
    %eq3A_38 = vector.broadcast %eq3A_37 : i32 to vector<8x128xi32>
    %eq3A_39 = arith.cmpi eq, %iota3A_28, %eq3A_38 : vector<8x128xi32>
    %and3A_40 = arith.andi %eq3A_36, %eq3A_39 : vector<8x128xi1>
    %jit3A = arith.constant 0.000000e+00 : f32
    %broadcast_in_dim3A = vector.broadcast %div3A_27 : f32 to vector<8x128xf32>
    %broadcast_in_dim3A_41 = vector.broadcast %jit3A : f32 to vector<8x128xf32>
    %select_n3A = arith.select %and3A_40, %broadcast_in_dim3A, %broadcast_in_dim3A_41 : vector<8x128xi1>, vector<8x128xf32>
    %broadcast_in_dim3A_42 = vector.broadcast %div3A_16 : f32 to vector<8x128xf32>
    %select_n3A_43 = arith.select %and3A, %broadcast_in_dim3A_42, %select_n3A : vector<8x128xi1>, vector<8x128xf32>
    %swap3A = arith.constant 0 : index
    %swap3A_44 = arith.constant 0 : index
    %swap3A_45 = vector.load %arg1[%swap3A, %swap3A_44] : memref<8x128xf32, #tpu.memory_space<vmem>>, vector<8x128xf32>
    tpu.vector_store %arg1[%swap3A, %swap3A_44], %select_n3A_43 {strides = array<i32>} : memref<8x128xf32, #tpu.memory_space<vmem>>, vector<8x128xf32>,
    return
  }
}

</mosaic_0001>

<sc_bundles>
// kernel: kernel.5.cloned.1.call-start
scs
__scs_entry_jumppad:
0x0: {  	(pc) =	sbr.rel $0x88, $3  }
0x1: {  	(tag) =	ssettag $0x0;
	lr =	simm.s32 $0x1  }
0x2: {  	[smem:$0x3F9E] =	sst lr;
	_ =	strace $0xD0000000  }
0x3: {  	_ = 	snop  }
0x4: {  	_ = 	snop  }
0x5: {  	_ = 	snop  }
0x6: {  	_ = 	snop  }
0x7: {  	_ = 	snop  }
__scs_overlays_trampoline_lowered:
0x8: {  	[smem:$0x3FAD] =	sst s0  }
0x9: {  	[smem:$0x3FAE] =	sst s1  }
0xa: {  	[smem:$0x3FAF] =	sst s2  }
0xb: {  	[smem:$0x3FB0] =	sst s3  }
0xc: {  	[smem:$0x3FB1] =	sst s4  }
0xd: {  	[smem:$0x3FB2] =	sst s5  }
0xe: {  	[smem:$0x3FB3] =	sst s6  }
0xf: {  	[smem:$0x3FB4] =	sst s7  }
0x10: {  	[smem:$0x3FB5] =	sst s8  }
0x11: {  	[smem:$0x3FB6] =	sst s9;
	s0 =	simm.s32 @!p0 $0x0  }
0x12: {  	s1 =	sld [smem:$0x3F9C];
	s0 =	simm.s32 @p0 $0x1  }
0x13: {  	[smem:$0x3FB7] =	sst s0;
	s0 =	simm.s32 @!p1 $0x0  }
0x14: {  	s2 =	sld [smem:$0x3F9B];
	s0 =	simm.s32 @p1 $0x1  }
0x15: {  	[smem:$0x3FB8] =	sst s0;
	s0 =	simm.s32 @!p2 $0x0  }
0x16: {  	s3 =	sld [smem:$0x3FDB];
	s0 =	simm.s32 @p2 $0x1  }
0x17: {  	s4 =	simm.s32 $0x1BF5;
	[smem:$0x3FBA] =	sst s0  }
0x18: {  	s0 =	sld [smem:$0x3F9D];
	_ =	swait.ge [sflag:s4], $0x0  }
0x19: {  	s7 =	sld [smem:$0x3F9E]  }
0x1a: {  	s8 =	sadd.s32 $0xFFFFE003, lr  }
0x1b: {  	s9 =	sadd.s32 $0xFFFFFEF7, lr;
	s5 =	simm.s32 $0xFFFFFFFF;
	p2 =	slt.u32 s8, $0xFFFFF086  }
0x1c: {  	p1 =	slt.u32 s9, $0xF7A;
	s5 =	simm.s32 @!p2 $0x0  }
0x1d: {  	s5 =	simm.s32 @p1 $0x1;
	p0 =	seq.s32 s7, s2  }
0x1e: {  	s7 =	smul.u32 @!p0 $0xF7A, s2;
	p2 =	seq.s32 @!p0 s5, $0x0  }
0x1f: {  	s9 =	smul.u32 $0xF7A, s1;
	s8 =	simm.s32 @!p0 $0x1BF5;
	p2 =	por !p2, p0  }
0x20: {  	[sflag:s8] =	ssyncset.s32 @!p0 $0xFFFFF086;
	s6 =	sadd.s32 @!p0 s3, s7;
	s7 =	simm.s32 @!p0 $0x108  }
0x21: {  	s3 =	sadd.s32 s3, s9;
	s6 =	sadd.s32 @!p0 $0x88, s6;
	s7 =	simm.s32 @p2 $0x1082  }
0x22: {  	[simem:s7], [sflag:s8] =	dma.local @!p0 [hbm:s6], $0xF7A  }
0x23: {  	s9 =	sor.u32 $0xD0000000, s2;
	s6 =	simm.s32 $0x108;
	_ =	swait.ge @!p0 [sflag:s8], $0x0  }
0x24: {  	s3 =	sadd.s32 $0x88, s3;
	s6 =	simm.s32 @!p1 $0x1082;
	[sflag:s4] =	ssyncset.s32 $0xFFFFF086  }
0x25: {  	[simem:s6], [sflag:s4] =	dma.local [hbm:s3], $0xF7A  }
0x26: {  	[smem:$0x3F9E] =	sst s1;
	(tag) =	ssettag s2;
	_ =	strace s9  }
0x27: {  	s1 =	sld [smem:$0x3FAE]  }
0x28: {  	s2 =	sld [smem:$0x3FAF]  }
0x29: {  	s4 =	sld [smem:$0x3FB1]  }
0x2a: {  	p0 =	seq.s32 s5, $0x0;
	s5 =	sld [smem:$0x3FB2]  }
0x2b: {  	s6 =	sld [smem:$0x3FB3]  }
0x2c: {  	s7 =	sld [smem:$0x3FB4]  }
0x2d: {  	s3 =	simm.s32 $0x108;
	s8 =	sld [smem:$0x3FB5]  }
0x2e: {  	s3 =	simm.s32 @!p0 $0x1082;
	s9 =	sld [smem:$0x3FB6]  }
0x2f: {  	lr =	sadd.s32 s0, s3;
	s0 =	sld [smem:$0x3FAD]  }
0x30: {  	s3 =	sld [smem:$0x3FB0]  }
0x31: {  	[smem:$0x3FB9] =	sst s10  }
0x32: {  	s10 =	sld [smem:$0x3FB7];
	_ =	sdelay $0x3  }
0x33: {  	p0 =	seq.s32 s10, $0x1;
	s10 =	sld [smem:$0x3FB9];
	_ =	sdelay $0x3  }
0x34: {  	[smem:$0x3FB9] =	sst s10  }
0x35: {  	s10 =	sld [smem:$0x3FB8];
	_ =	sdelay $0x3  }
0x36: {  	p1 =	seq.s32 s10, $0x1;
	s10 =	sld [smem:$0x3FB9];
	_ =	sdelay $0x3  }
0x37: {  	[smem:$0x3FB9] =	sst s10  }
0x38: {  	s10 =	sld [smem:$0x3FBA]  }
0x39: {  	_ = 	snop;
	(pc) =	sbr.ind lr, $3  }
0x3a: {  	_ = 	snop  }
0x3b: {  	_ = 	snop  }
0x3c: {  	p2 =	seq.s32 s10, $0x1;
	s10 =	sld [smem:$0x3FB9]  }
0x3d: {  	_ =	shalt  }
0x3e: {  	_ =	shalt  }
0x3f: {  	_ =	shalt  }
0x40: {  	_ =	shalt  }
0x41: {  	_ =	shalt  }
0x42: {  	_ =	shalt  }
0x43: {  	_ =	shalt  }
0x44: {  	_ =	shalt  }
0x45: {  	_ =	shalt  }
0x46: {  	_ =	shalt  }
0x47: {  	_ =	shalt  }
0x48: {  	_ =	shalt  }
0x49: {  	_ =	shalt  }
0x4a: {  	_ =	shalt  }
0x4b: {  	_ =	shalt  }
0x4c: {  	_ =	shalt  }
0x4d: {  	_ =	shalt  }
0x4e: {  	_ =	shalt  }
0x4f: {  	_ =	shalt  }
0x50: {  	_ =	shalt  }
0x51: {  	_ =	shalt  }
0x52: {  	_ =	shalt  }
0x53: {  	_ =	shalt  }
0x54: {  	_ =	shalt  }
0x55: {  	_ =	shalt  }
0x56: {  	_ =	shalt  }
0x57: {  	_ =	shalt  }
0x58: {  	_ =	shalt  }
0x59: {  	_ =	shalt  }
0x5a: {  	_ =	shalt  }
0x5b: {  	_ =	shalt  }
0x5c: {  	_ =	shalt  }
0x5d: {  	_ =	shalt  }
0x5e: {  	_ =	shalt  }
0x5f: {  	_ =	shalt  }
0x60: {  	_ =	shalt  }
0x61: {  	_ =	shalt  }
0x62: {  	_ =	shalt  }
0x63: {  	_ =	shalt  }
0x64: {  	_ =	shalt  }
0x65: {  	_ =	shalt  }
0x66: {  	_ =	shalt  }
0x67: {  	_ =	shalt  }
0x68: {  	_ =	shalt  }
0x69: {  	_ =	shalt  }
0x6a: {  	_ =	shalt  }
0x6b: {  	_ =	shalt  }
0x6c: {  	_ =	shalt  }
0x6d: {  	_ =	shalt  }
0x6e: {  	_ =	shalt  }
0x6f: {  	_ =	shalt  }
0x70: {  	_ =	shalt  }
0x71: {  	_ =	shalt  }
0x72: {  	_ =	shalt  }
0x73: {  	_ =	shalt  }
0x74: {  	_ =	shalt  }
0x75: {  	_ =	shalt  }
0x76: {  	_ =	shalt  }
0x77: {  	_ =	shalt  }
0x78: {  	_ =	shalt  }
0x79: {  	_ =	shalt  }
0x7a: {  	_ =	shalt  }
0x7b: {  	_ =	shalt  }
0x7c: {  	_ =	shalt  }
0x7d: {  	_ =	shalt  }
0x7e: {  	_ =	shalt  }
0x7f: {  	_ =	shalt  }
0x80: {  	_ =	shalt  }
0x81: {  	_ =	shalt  }
0x82: {  	_ =	shalt  }
0x83: {  	_ =	shalt  }
0x84: {  	_ =	shalt  }
0x85: {  	_ =	shalt  }
0x86: {  	_ =	shalt  }
0x87: {  	_ =	shalt  }
.Lfunc_end0:
.L_simem_size_0:
called_computation_lowered:
.L_overlay_start_0:
0x88: {  	s2 =	sld [smem:$0x3FD9]  }
0x89: {  	s3 =	sld [smem:$0x3FFE];
	_ =	sdelay $0x1  }
0x8a: {  	s1 =	srdreg.scid  }
0x8b: {  	s0 =	sand.u32 $0x1, s1  }
0x8c: {  	s17 =	sshll.u32 s0, $0xA;
	s2 =	sadd.s32 s3, s2  }
0x8d: {  	s2 =	sadd.s32 s2, s17  }
0x8e: {  	[smem:$0x3FC5] =	sst s2  }
0x8f: {  	_ = 	snop  }
0x90: {  	s2 =	sld [smem:$0x3FC9]  }
0x91: {  	s18 =	sld [smem:$0x3FC7];
	(tm) =	ssettm $0x1  }
0x92: {  	s4 =	sld [smem:$0x3FFB];
	_ =	sdelay $0x3  }
0x93: {  	_ =	strace s4  }
0x94: {  	s4 =	sld [smem:$0x3FFC];
	_ =	sdelay $0x3  }
0x95: {  	_ =	strace s4  }
0x96: {  	s4 =	sld [smem:$0x3FFD];
	_ =	sdelay $0x3  }
0x97: {  	_ =	strace s4  }
0x98: {  	_ =	strace $0x8FFFFFFF  }
0x99: {  	s19 =	sld [smem:$0x3FDB];
	_ =	sdelay $0x1  }
0x9a: {  	s5 =	simm.s32 $_scs_section_size  }
0x9b: {  	s6 =	simm.s32 $_size__tile_overlayer_lowered;
	s7 =	simm.s32 $_tile_overlayer_lowered  }
0x9c: {  	s22 =	simm.s32 $0x1BFF;
	s21 =	sshll.u32 s7, $0x1;
	s4 =	sadd.s32 s5, s19  }
0x9d: {  	s8 =	simm.s32 $0x0;
	s20 =	sshll.u32 s6, $0x1;
	s6 =	sadd.s32 s21, s4  }
0x9e: {  	[timem:s8], [sflag:s22] =	dma.local [hbm:s6], s20  }
0x9f: {  	_ =	swait.ge [sflag:s22], s20  }
0xa0: {  	s5 =	ssub.s32 $0x0, s20;
	[sflag:s22] =	ssyncset.done $0x0  }
0xa1: {  	[sflag:s22] =	ssyncadd.s32 s5;
	_ =	sdelay $0x1  }
0xa2: {  	s23 =	simm.s32 $0x1B8B  }
0xa3: {  	_ =	swait.ge [sflag:s23], $0x1  }
0xa4: {  	[sflag:s23] =	ssyncset.done $0x0  }
0xa5: {  	s25 =	simm.s32 $0x1B8E;
	s24 =	sld [smem:$0x3FFE];
	[sflag:s23] =	ssyncadd.s32 $0xFFFFFFFF  }
0xa6: {  	s26 =	simm.s32 $execute0_lowered;
	[smem:$0x3FD2] =	sst s25  }
0xa7: {  	s6 =	sshll.u32 s26, $0x1;
	_ =	strace $0x80000046;
	[dreg:$0x1] =	wrdreg $0xFFFFFFFF  }
0xa8: {  	s28 =	simm.s32 $_size_execute0_lowered;
	s4 =	sadd.s32 s4, s6;
	[dreg:$0x0] =	wrdreg $0x0  }
0xa9: {  	s6 =	sshll.u32 s28, $0x1;
	[dreg:$0x2] =	wrdreg s4  }
0xaa: {  	[dreg:$0x3] =	wrdreg s6  }
0xab: {  	[dreg:$0x4] =	wrdreg $0xC0  }
0xac: {  	_ =	task [dreg:s8], $0x5FFFF  }
0xad: {  	[dreg:$0x1] =	wrdreg $0xFFFFFFFF  }
0xae: {  	[dreg:$0x0] =	wrdreg $0x60  }
0xaf: {  	[dreg:$0x2] =	wrdreg s2  }
0xb0: {  	[dreg:$0x3] =	wrdreg s24  }
0xb1: {  	[dreg:$0x4] =	wrdreg s18  }
0xb2: {  	[dreg:$0x5] =	wrdreg $0x9  }
0xb3: {  	_ =	task.clear_ibuf [dreg:s8], $0x6FFFF;
	_ =	strace $0x90000046  }
0xb4: {  	s29 =	simm.s32 $0x9;
	_ =	strace $0x80000048  }
0xb5: {  	_ =	swait.ge [sflag:s29], $0x1  }
0xb6: {  	[sflag:s29] =	ssyncadd.s32 $0xFFFFFFFF  }
0xb7: {  	_ =	strace $0x90000048  }
0xb8: {  	_ =	sfence  }
0xb9: {  	s30 =	sld [smem:$0x0];
	_ =	sdelay $0x2  }
0xba: {  	s31 =	sshll.u32 s1, $0xD;
	s1 =	sshrl.u32 s1, $0x2  }
0xbb: {  	s3 =	sand.u32 $0x4000, s31;
	s1 =	sadd.s32 s1, s30  }
0xbc: {  	s0 =	sor.u32 s3, s0;
	s1 =	sshll.u32 s1, $0x11  }
0xbd: {  	s0 =	sor.u32 s1, s0  }
0xbe: {  	s0 =	sadd.s32 $0x8F2B, s0  }
0xbf: {  	[sflag:s0] =	ssyncadd.remote.s32 $0x1  }
0xc0: {  	_ =	sfence.sel $0xFFFF  }
0xc1: {  	[dreg:$0x0] =	wrdreg $0xFFFFFFFF;
	(pc) =	sbr.abs _section_cstart, $3  }
0xc2: {  	[dreg:$0x1] =	wrdreg $0xFFFFFFFF  }
0xc3: {  	_ =	task.clear_ibuf [dreg:s8], $0x2FFFF;
	_ =	strace $0x9FFFFFFF  }
0xc4: {  	(tm) =	ssettm $0x7FFFFFFF  }
0xc5: {  	_ =	shalt  }
tec
execute0_lowered:
.L_overlay_start_1:
0x0: {  	(tag) =	ssettag $0x1  }
0x1: {  	s1 =	rddreg [dreg:$0x0]  }
0x2: {  	s0 =	rddreg [dreg:$0x1]  }
0x3: {  	s2 =	rddreg [dreg:$0x2]  }
0x4: {  	s3 =	simm.s32 $0x0;
	s4 =	srdreg.scid;
	s11 =	stileid.u32  }
0x5: {  	s9 =	simm.s32 $0x2;
	s10 =	simm.s32 $0x80;
	s12 =	simm.s32 $0x600  }
0x6: {  	s20 =	simm.s32 $0x1600;
	s21 =	simm.s32 $0x480;
	s22 =	simm.s32 $0x1A00  }
0x7: {  	s28 =	simm.s32 $0x2600;
	s29 =	simm.s32 $0x1;
	s30 =	simm.s32 $0x2A00  }
0x8: {  	s31 =	simm.s32 $0x3A00;
	[smem:$0x7FF] =	sst s3;
	s6 =	sand.u32 $0x1, s4  }
0x9: {  	s23 =	sshll.u32 s11, $0x1;
	s25 =	sshll.u32 s11, $0xA;
	p0 =	slt.u32 s11, $0x8  }
0xa: {  	_ =	strace $0x80000047;
	s5 =	sor.u32 s6, s23;
	s8 =	ssub.s32 $0x2, s6  }
0xb: {  	s26 =	sshll.u32 s6, $0x9;
	s23 =	simm.s32 $0x500;
	s4 =	sshll.u32 s5, $0x6  }
0xc: {  	s7 =	sshll.u32 s5, $0x5;
	s24 =	sshrl.u32 s8, $0x1;
	s5 =	sshll.u32 s5, $0x7  }
0xd: {  	v0 =	vlaneseq.u32;
	s4 =	sadd.s32 s4, s0;
	s0 =	sadd.s32 s7, s0;
	s7 =	ssub.s32 s8, s24  }
0xe: {  	v1 =	vmul.u32 $0x100, v0;
	s5 =	sadd.s32 s2, s5;
	s8 =	sor.u32 s26, s25;
	s24 =	simm.s32 $0x1E00  }
0xf: {  	v2 =	vimm.f32 $0.0e+00;
	v6 =	vimm.f32 $1.000000000e+00;
	v4 =	vand.u32 $0x1, v0;
	s25 =	simm.s32 $0x580;
	s26 =	simm.s32 $0x2200;
	s4 =	sadd.s32 $0x800, s4  }
0x10: {  	v3 =	vmul.u32 $0x1000, v4;
	v4 =	vmul.u32 $0x80, v4;
	v5 =	vor.u32 $0x40, v1;
	s6 =	sadd.s32 $0x1000, s0;
	s7 =	smax.u32 s7, $0x1;
	s0 =	simm.s32 $0x0  }
.LBB2_1:
0x11: {  	[tilespmem:s3], [sflag:$0x2] =	stream.linear.gather [hbm4b:s4+s3], $0x200, $0x38;
	[tilespmem:$0x3B00] =	vst v63  }
0x12: {  	_ =	swait.ge [sflag:s9], $0x200  }
0x13: {  	[sflag:s9] =	ssyncset.done $0x0  }
0x14: {  	s2 =	simm.s32 $0x0;
	[sflag:s9] =	ssyncadd.s32 $0xFFFFFE00  }
0x15: {  	v7 =	vld [tilespmem:s2+$0x0];
	_ =	sdelay $0x1  }
0x16: {  	s11 =	sadd.s32 $0x0, s8  }
0x17: {  	v8 =	vmov s11  }
0x18: {  	s13 =	simm.s32 $0x0;
	v9 =	vor.u32 s11, v0;
	v8 =	vshrl.u32 v8, $0x2  }
0x19: {  	s13 =	sand.u32 $0x180, s13;
	v9 =	vshrl.u32 v9, $0x3;
	v8 =	vand.u32 $0x1FFFFFE0, v8;
	v7 =	vshll.u32 v7, $0xC  }
0x1a: {  	s14 =	sand.u32 $0x60, s3;
	s15 =	sor.u32 $0x200, s13;
	v7 =	vadd.s32 v8, v7;
	v8 =	vand.u32 $0xD, v9  }
0x1b: {  	s17 =	sor.u32 $0x400, s13;
	s16 =	sor.u32 s14, s15;
	v7 =	vor.u32 v8, v7  }
0x1c: {  	s13 =	sor.u32 s14, s17;
	[tilespmem:s16+$0x0] =	vst v7;
	v7 =	vor.u32 $0x10, v7  }
0x1d: {  	[tilespmem:s13+$0x0] =	vst v7  }
0x1e: {  	v7 =	vld [tilespmem:s2+$0x10];
	_ =	sdelay $0x1  }
0x1f: {  	s14 =	sadd.s32 $0x10, s11  }
0x20: {  	v8 =	vmov s14  }
0x21: {  	v63 =	vor.u32 s14, v0;
	v8 =	vshrl.u32 v8, $0x2  }
0x22: {  	v9 =	vshrl.u32 v63, $0x3;
	s16 =	simm.s32 $0x10;
	v8 =	vand.u32 $0x1FFFFFE0, v8;
	v7 =	vshll.u32 v7, $0xC  }
0x23: {  	s18 =	sand.u32 $0x70, s16;
	v7 =	vadd.s32 v8, v7;
	v8 =	vand.u32 $0xF, v9  }
0x24: {  	s11 =	simm.s32 $0x80;
	s19 =	sor.u32 s18, s15;
	v7 =	vor.u32 v8, v7  }
0x25: {  	s13 =	simm.s32 $0x40;
	s2 =	simm.s32 $0x20;
	s14 =	sor.u32 s18, s17;
	[tilespmem:s19+$0x0] =	vst v7;
	v7 =	vor.u32 $0x10, v7  }
.LBB2_2:
0x26: {  	p1 =	sne.s32 s13, $0x1E0  }
0x27: {  	s15 =	sshra.s32 s11, $0x2;
	[tilespmem:s14+$0x0] =	vst v7;
	s14 =	smov.u32 s13;
	s13 =	sadd.s32 $0x20, s13  }
0x28: {  	v7 =	vld [tilespmem:s15+$0x0];
	_ =	sdelay $0x1  }
0x29: {  	s16 =	sadd.s32 s2, s8  }
0x2a: {  	v8 =	vmov s16;
	v9 =	vor.u32 s16, v0;
	s16 =	sadd.s32 $0x10, s16  }
0x2b: {  	s17 =	sshrl.u32 s11, $0x2;
	v8 =	vshrl.u32 v8, $0x2;
	v9 =	vshrl.u32 v9, $0x3;
	v10 =	vmov s16  }
0x2c: {  	s17 =	sand.u32 $0x180, s17;
	v11 =	vor.u32 s16, v0;
	v8 =	vand.u32 $0x1FFFFFE0, v8;
	v7 =	vshll.u32 v7, $0xC  }
0x2d: {  	s16 =	sand.u32 $0x60, s2;
	s18 =	sor.u32 $0x200, s17;
	v7 =	vadd.s32 v8, v7;
	v8 =	vand.u32 $0xD, v9;
	v9 =	vshrl.u32 v10, $0x2  }
0x2e: {  	s17 =	sor.u32 $0x400, s17;
	s19 =	sor.u32 s16, s18;
	v7 =	vor.u32 v8, v7;
	v8 =	vshrl.u32 v11, $0x3  }
0x2f: {  	s16 =	sor.u32 s16, s17;
	[tilespmem:s19+$0x0] =	vst v7;
	v7 =	vor.u32 $0x10, v7  }
0x30: {  	[tilespmem:s16+$0x0] =	vst v7  }
0x31: {  	v7 =	vld [tilespmem:s15+$0x10];
	_ =	sdelay $0x3  }
.Ltmp0:
0x32: {  	(pc) =	sbr.rel @p1 .LBB2_2-.Ltmp0, $4  }
0x33: {  	v9 =	vand.u32 $0x1FFFFFE0, v9;
	s15 =	sadd.s32 $0x10, s2;
	s2 =	smov.u32 s14;
	v7 =	vshll.u32 v7, $0xC  }
0x34: {  	v8 =	vand.u32 $0xF, v8;
	s14 =	sand.u32 $0x70, s15;
	v7 =	vadd.s32 v9, v7  }
0x35: {  	s15 =	sor.u32 s14, s18;
	v7 =	vor.u32 v8, v7  }
0x36: {  	s11 =	sadd.s32 $0x80, s11;
	s14 =	sor.u32 s14, s17;
	[tilespmem:s15+$0x0] =	vst v7;
	v7 =	vor.u32 $0x10, v7  }
0x37: {  	s13 =	sshra.s32 s11, $0x2;
	[tilespmem:s14+$0x0] =	vst v7  }
0x38: {  	v7 =	vld [tilespmem:s13+$0x0];
	_ =	sdelay $0x1  }
0x39: {  	s18 =	sadd.s32 s2, s8  }
0x3a: {  	v8 =	vmov s18  }
0x3b: {  	s19 =	sshrl.u32 s11, $0x2;
	v9 =	vor.u32 s18, v0;
	v8 =	vshrl.u32 v8, $0x2  }
0x3c: {  	s11 =	sand.u32 $0x180, s19;
	v9 =	vshrl.u32 v9, $0x3;
	v8 =	vand.u32 $0x1FFFFFE0, v8;
	v7 =	vshll.u32 v7, $0xC  }
0x3d: {  	s15 =	sand.u32 $0x60, s2;
	s16 =	sor.u32 $0x200, s11;
	v7 =	vadd.s32 v8, v7;
	v8 =	vand.u32 $0xD, v9  }
0x3e: {  	s11 =	sor.u32 $0x400, s11;
	s17 =	sor.u32 s15, s16;
	v7 =	vor.u32 v8, v7  }
0x3f: {  	s15 =	sor.u32 s15, s11;
	[tilespmem:s17+$0x0] =	vst v7;
	v7 =	vor.u32 $0x10, v7  }
0x40: {  	[tilespmem:s15+$0x0] =	vst v7  }
0x41: {  	v7 =	vld [tilespmem:s13+$0x10];
	_ =	sdelay $0x1  }
0x42: {  	s15 =	sadd.s32 $0x10, s18  }
0x43: {  	v8 =	vmov s15  }
0x44: {  	v63 =	vor.u32 s15, v0;
	v8 =	vshrl.u32 v8, $0x2  }
0x45: {  	s17 =	sadd.s32 $0x10, s2;
	v9 =	vshrl.u32 v63, $0x3;
	v8 =	vand.u32 $0x1FFFFFE0, v8;
	v7 =	vshll.u32 v7, $0xC  }
0x46: {  	s2 =	sand.u32 $0x70, s17;
	v7 =	vadd.s32 v8, v7;
	v8 =	vand.u32 $0xF, v9  }
0x47: {  	s18 =	sor.u32 s2, s16;
	v7 =	vor.u32 v8, v7  }
0x48: {  	s2 =	sor.u32 s2, s11;
	[tilespmem:s18+$0x0] =	vst v7;
	v7 =	vor.u32 $0x10, v7  }
0x49: {  	s19 =	simm.s32 $0x200;
	[tilespmem:s2+$0x0] =	vst v7  }
0x4a: {  	[tilespmem:s12], [sflag:$0x1] =	stream.indirect.gather [hbm4b:s1+s10], $0x8, s19, s10, $0xb8;
	[tilespmem:$0x3B00] =	vst v63  }
0x4b: {  	s11 =	simm.s32 $0x280;
	s13 =	simm.s32 $0xA00  }
0x4c: {  	[tilespmem:s13], [sflag:$0x1] =	stream.indirect.gather [hbm4b:s1+s10], $0x8, s11, s10, $0xb8;
	[tilespmem:$0x3B00] =	vst v63  }
0x4d: {  	s14 =	simm.s32 $0x300;
	s15 =	simm.s32 $0xE00  }
0x4e: {  	[tilespmem:s15], [sflag:$0x1] =	stream.indirect.gather [hbm4b:s1+s10], $0x8, s14, s10, $0xb8;
	[tilespmem:$0x3B00] =	vst v63  }
0x4f: {  	s17 =	simm.s32 $0x1200;
	s16 =	simm.s32 $0x380  }
0x50: {  	[tilespmem:s17], [sflag:$0x1] =	stream.indirect.gather [hbm4b:s1+s10], $0x8, s16, s10, $0xb8;
	[tilespmem:$0x3B00] =	vst v63  }
0x51: {  	s18 =	simm.s32 $0x400  }
0x52: {  	[tilespmem:s20], [sflag:$0x1] =	stream.indirect.gather [hbm4b:s1+s10], $0x8, s18, s10, $0xb8;
	[tilespmem:$0x3B00] =	vst v63  }
0x53: {  	_ = 	snop  }
0x54: {  	[tilespmem:s22], [sflag:$0x1] =	stream.indirect.gather [hbm4b:s1+s10], $0x8, s21, s10, $0xb8;
	[tilespmem:$0x3B00] =	vst v63  }
0x55: {  	_ = 	snop  }
0x56: {  	[tilespmem:s24], [sflag:$0x1] =	stream.indirect.gather [hbm4b:s1+s10], $0x8, s23, s10, $0xb8;
	[tilespmem:$0x3B00] =	vst v63  }
0x57: {  	_ = 	snop  }
0x58: {  	[tilespmem:s26], [sflag:$0x1] =	stream.indirect.gather [hbm4b:s1+s10], $0x8, s25, s10, $0xb8;
	[tilespmem:$0x3B00] =	vst v63  }
0x59: {  	s19 =	simm.s32 $0x0  }
0x5a: {  	[tilespmem:s28], [sflag:$0x2] =	stream.linear.gather [hbm4b:s5+s19], $0x400, $0x38;
	[tilespmem:$0x3B00] =	vst v63  }
0x5b: {  	_ =	swait.ge [sflag:s9], $0x400  }
0x5c: {  	[sflag:s9] =	ssyncset.done $0x0  }
0x5d: {  	s2 =	simm.s32 $0x0;
	s11 =	simm.s32 $0x100;
	[sflag:s9] =	ssyncadd.s32 $0xFFFFFC00  }
.LBB2_4:
0x5e: {  	p1 =	sne.s32 s11, $0x3F00;
	[tilespmem:s2+$0x2A30] =	vst v2;
	s13 =	smov.u32 s11;
	s11 =	sadd.s32 $0x100, s11  }
.Ltmp1:
0x5f: {  	[tilespmem:s2+$0x2A20] =	vst v2;
	(pc) =	sbr.rel @p1 .LBB2_4-.Ltmp1, $3  }
0x60: {  	[tilespmem:s2+$0x2A00] =	vst v2  }
0x61: {  	[tilespmem:s2+$0x2A10] =	vst v2;
	_ =	sdelay $0x1  }
0x62: {  	s2 =	sshra.s32 s13, $0x2  }
0x63: {  	[tilespmem:s2+$0x2A30] =	vst v2  }
0x64: {  	[tilespmem:s2+$0x2A20] =	vst v2  }
0x65: {  	[tilespmem:s2+$0x2A00] =	vst v2  }
0x66: {  	[tilespmem:s2+$0x2A10] =	vst v2  }
0x67: {  	_ =	swait.ge [sflag:s29], $0x400  }
0x68: {  	[sflag:s29] =	ssyncset.done $0x0  }
0x69: {  	[sflag:s29] =	ssyncadd.s32 $0xFFFFFC00  }
0x6a: {  	_ =	swait.ge [sflag:s29], $0x400  }
0x6b: {  	[sflag:s29] =	ssyncset.done $0x0  }
0x6c: {  	[sflag:s29] =	ssyncadd.s32 $0xFFFFFC00  }
0x6d: {  	_ =	swait.ge [sflag:s29], $0x400  }
0x6e: {  	[sflag:s29] =	ssyncset.done $0x0  }
0x6f: {  	[sflag:s29] =	ssyncadd.s32 $0xFFFFFC00  }
0x70: {  	_ =	swait.ge [sflag:s29], $0x400  }
0x71: {  	[sflag:s29] =	ssyncset.done $0x0  }
0x72: {  	[sflag:s29] =	ssyncadd.s32 $0xFFFFFC00  }
0x73: {  	_ =	swait.ge [sflag:s29], $0x400  }
0x74: {  	[sflag:s29] =	ssyncset.done $0x0  }
0x75: {  	s18 =	simm.s32 $0x0;
	[sflag:s29] =	ssyncadd.s32 $0xFFFFFC00  }
0x76: {  	v7 =	vor.u32 s18, v0;
	_ =	swait.ge [sflag:s29], $0x400  }
0x77: {  	v7 =	vshrl.u32 v7, $0x1;
	[sflag:s29] =	ssyncset.done $0x0  }
0x78: {  	v8 =	vshll.u32 v7, $0x3;
	[sflag:s29] =	ssyncadd.s32 $0xFFFFFC00  }
0x79: {  	v9 =	vand.u32 $0x7, v7;
	v8 =	vadd.s32 v3, v8;
	_ =	swait.ge [sflag:s29], $0x400  }
0x7a: {  	v8 =	vor.u32 v9, v8;
	[sflag:s29] =	ssyncset.done $0x0  }
0x7b: {  	[sflag:s29] =	ssyncadd.s32 $0xFFFFFC00  }
0x7c: {  	_ =	swait.ge [sflag:s29], $0x400  }
0x7d: {  	[sflag:s29] =	ssyncset.done $0x0  }
0x7e: {  	[sflag:s29] =	ssyncadd.s32 $0xFFFFFC00  }
0x7f: {  	v8 =	vld.idx.msk [tilespmem:v8+s12+$0x0], $0xffff;
	_ =	sdelay $0x4  }
0x80: {  	v9 =	vand.u32 $0x7FFFFFFF, v8  }
0x81: {  	v9 =	vsub.f32 $0.0e+00, v9;
	_ =	sdelay $0x1  }
0x82: {  	v9 =	vmul.f32 $1.442695020e+00, v9;
	_ =	sdelay $0x1  }
0x83: {  	(erf) = vpow2.f32 v9;
	_ =	sdelay $0x8  }
0x84: {  	v9 =	vpop (erf)  }
0x85: {  	v10 =	vmul.f32 $-1.702961140e-02, v9;
	_ =	sdelay $0x1  }
0x86: {  	v10 =	vadd.f32 $8.152318000e-02, v10;
	_ =	sdelay $0x1  }
0x87: {  	v11 =	vmov s18;
	v10 =	vmul.f32 v10, v9  }
0x88: {  	v11 =	vand.u32 $0x300, v11;
	v12 =	vand.u32 $0x77, v7  }
0x89: {  	v11 =	vor.u32 v12, v11;
	v10 =	vadd.f32 $-1.890195460e-01, v10  }
0x8a: {  	v11 =	vor.u32 v4, v11  }
0x8b: {  	v10 =	vmul.f32 v10, v9;
	_ =	sdelay $0x1  }
0x8c: {  	v10 =	vadd.f32 $3.150412740e-01, v10;
	_ =	sdelay $0x1  }
0x8d: {  	v11 =	vld.idx.msk [tilespmem:v11+s28+$0x0], $0xffff;
	v10 =	vmul.f32 v10, v9  }
0x8e: {  	v12 =	vld.idx.msk [tilespmem:v7+s3+$0x0], $0xffff  }
0x8f: {  	v10 =	vadd.f32 $-4.972033200e-01, v10;
	_ =	sdelay $0x1  }
0x90: {  	v7 =	vmul.f32 v10, v9  }
0x91: {  	v10 =	vmul.f32 v11, v8  }
0x92: {  	v13 =	vmax.f32 v8, $0.0e+00;
	v14 =	vadd.s32 v1, v12;
	v7 =	vadd.f32 $9.998325700e-01, v7  }
0x93: {  	s19 =	simm.s32 $0x10;
	v11 =	vadd.f32 @!p0 v11, v11;
	v10 =	vsub.f32 v13, v10;
	v13 =	vlaneseq.u32 @!p0  }
0x94: {  	v13 =	vmul.u32 @!p0 $0x100, v13;
	v9 =	vmul.f32 v7, v9;
	v7 =	vor.u32 s19, v0  }
0x95: {  	v15 =	vadd.s32 v5, v12;
	v11 =	vadd.f32 @!p0 $-1.000000000e+00, v11;
	v16 =	vshrl.u32 v7, $0x1  }
0x96: {  	v7 =	vor.u32 @!p0 $0x80, v13;
	v9 =	vadd.f32 $1.693662630e-06, v9;
	v13 =	vshll.u32 v16, $0x3  }
0x97: {  	v12 =	vadd.s32 @!p0 v7, v12;
	v17 =	vand.u32 $0x7, v16;
	v13 =	vadd.s32 v3, v13  }
0x98: {  	v8 =	vmul.f32 @!p0 v11, v8;
	v9 =	vadd.f32 v9, v10;
	v10 =	vor.u32 v17, v13;
	_ =	sdelay $0x1  }
0x99: {  	[tilespmem:v14+s30+$0x0] =	vst.idx.add.f32.msk $0xffff, v9;
	v8 =	vadd.f32 @!p0 v9, v8  }
0x9a: {  	s11 =	simm.s32 @!p0 $0x2A00;
	[tilespmem:v15+s30+$0x0] =	vst.idx.add.f32.msk $0xffff, v6  }
0x9b: {  	[tilespmem:v12+s11+$0x0] =	vst.idx.add.f32.msk @!p0 $0xffff, v8  }
0x9c: {  	v8 =	vld.idx.msk [tilespmem:v10+s12+$0x0], $0xffff;
	_ =	sdelay $0x4  }
0x9d: {  	v9 =	vand.u32 $0x7FFFFFFF, v8  }
0x9e: {  	v9 =	vsub.f32 $0.0e+00, v9;
	_ =	sdelay $0x1  }
0x9f: {  	v9 =	vmul.f32 $1.442695020e+00, v9;
	_ =	sdelay $0x1  }
0xa0: {  	(erf) = vpow2.f32 v9;
	_ =	sdelay $0x7  }
0xa1: {  	v9 =	vmov s19  }
0xa2: {  	v10 =	vand.u32 $0x7F, v16;
	v9 =	vand.u32 $0x300, v9;
	v12 =	vpop (erf)  }
0xa3: {  	v9 =	vor.u32 v10, v9;
	v10 =	vmul.f32 $-1.702961140e-02, v12;
	_ =	sdelay $0x1  }
0xa4: {  	v9 =	vor.u32 v4, v9;
	v10 =	vadd.f32 $8.152318000e-02, v10;
	_ =	sdelay $0x1  }
0xa5: {  	v10 =	vmul.f32 v10, v12;
	_ =	sdelay $0x1  }
0xa6: {  	v10 =	vadd.f32 $-1.890195460e-01, v10  }
0xa7: {  	v9 =	vld.idx.msk [tilespmem:v9+s28+$0x0], $0xffff  }
0xa8: {  	v10 =	vmul.f32 v10, v12;
	_ =	sdelay $0x1  }
0xa9: {  	v10 =	vadd.f32 $3.150412740e-01, v10;
	_ =	sdelay $0x1  }
0xaa: {  	v11 =	vadd.f32 @!p0 v9, v9;
	v10 =	vmul.f32 v10, v12  }
0xab: {  	v9 =	vmul.f32 v9, v8  }
0xac: {  	s2 =	simm.s32 $0x20;
	v13 =	vmax.f32 v8, $0.0e+00;
	v11 =	vadd.f32 @!p0 $-1.000000000e+00, v11;
	v14 =	vadd.f32 $-4.972033200e-01, v10  }
0xad: {  	v9 =	vsub.f32 v13, v9;
	v13 =	vor.u32 s2, v0  }
0xae: {  	v10 =	vmul.f32 @!p0 v11, v8;
	v8 =	vshrl.u32 v13, $0x1;
	v17 =	vmul.f32 v14, v12;
	v14 =	vld.idx.msk [tilespmem:v16+s3+$0x0], $0xffff  }
0xaf: {  	v11 =	vmov s2;
	v13 =	vshll.u32 v8, $0x3;
	v15 =	vand.u32 $0x77, v8  }
0xb0: {  	v18 =	vand.u32 $0x7, v8;
	v11 =	vand.u32 $0x300, v11;
	v13 =	vadd.s32 v3, v13  }
0xb1: {  	s13 =	simm.s32 $0x40;
	v11 =	vor.u32 v15, v11;
	v13 =	vor.u32 v18, v13;
	v15 =	vadd.f32 $9.998325700e-01, v17  }
.LBB2_6:
0xb2: {  	_ = 	snop  }
0xb3: {  	s14 =	smov.u32 s13;
	s13 =	sadd.s32 $0x20, s13;
	v12 =	vmul.f32 v15, v12;
	v15 =	vadd.s32 v1, v14  }
0xb4: {  	v16 =	vadd.s32 v5, v14;
	p1 =	sne.s32 s13, $0x400  }
0xb5: {  	v14 =	vadd.s32 @!p0 v7, v14;
	v12 =	vadd.f32 $1.693662630e-06, v12;
	_ =	sdelay $0x1  }
0xb6: {  	v9 =	vadd.f32 v12, v9;
	_ =	sdelay $0x1  }
0xb7: {  	[tilespmem:v15+s30+$0x0] =	vst.idx.add.f32.msk $0xffff, v9;
	v9 =	vadd.f32 @!p0 v9, v10  }
0xb8: {  	[tilespmem:v16+s30+$0x0] =	vst.idx.add.f32.msk $0xffff, v6  }
0xb9: {  	[tilespmem:v14+s11+$0x0] =	vst.idx.add.f32.msk @!p0 $0xffff, v9  }
0xba: {  	v9 =	vld.idx.msk [tilespmem:v13+s12+$0x0], $0xffff;
	_ =	sdelay $0x5  }
0xbb: {  	v10 =	vand.u32 $0x7FFFFFFF, v9  }
0xbc: {  	v10 =	vsub.f32 $0.0e+00, v10;
	_ =	sdelay $0x1  }
0xbd: {  	v10 =	vmul.f32 $1.442695020e+00, v10;
	_ =	sdelay $0x1  }
0xbe: {  	(erf) = vpow2.f32 v10;
	_ =	sdelay $0x8  }
0xbf: {  	v10 =	vpop (erf)  }
0xc0: {  	v12 =	vmul.f32 $-1.702961140e-02, v10;
	_ =	sdelay $0x1  }
0xc1: {  	v12 =	vadd.f32 $8.152318000e-02, v12  }
0xc2: {  	v11 =	vor.u32 v4, v11  }
0xc3: {  	v12 =	vmul.f32 v12, v10;
	_ =	sdelay $0x1  }
0xc4: {  	v12 =	vadd.f32 $-1.890195460e-01, v12;
	_ =	sdelay $0x1  }
0xc5: {  	v11 =	vld.idx.msk [tilespmem:v11+s28+$0x0], $0xffff;
	v12 =	vmul.f32 v12, v10;
	_ =	sdelay $0x1  }
0xc6: {  	v12 =	vadd.f32 $3.150412740e-01, v12;
	_ =	sdelay $0x1  }
0xc7: {  	v8 =	vld.idx.msk [tilespmem:v8+s3+$0x0], $0xffff;
	v12 =	vmul.f32 v12, v10;
	_ =	sdelay $0x1  }
0xc8: {  	v13 =	vmul.f32 v11, v9;
	v11 =	vadd.f32 @!p0 v11, v11;
	v12 =	vadd.f32 $-4.972033200e-01, v12  }
0xc9: {  	v14 =	vmax.f32 v9, $0.0e+00  }
0xca: {  	v13 =	vsub.f32 v14, v13;
	v12 =	vmul.f32 v12, v10  }
0xcb: {  	v11 =	vadd.f32 @!p0 $-1.000000000e+00, v11  }
0xcc: {  	v14 =	vadd.s32 v1, v8;
	v12 =	vadd.f32 $9.998325700e-01, v12  }
0xcd: {  	s15 =	sadd.s32 $0x10, s2;
	s2 =	smov.u32 s14;
	v15 =	vadd.s32 v5, v8;
	v9 =	vmul.f32 @!p0 v11, v9  }
0xce: {  	v11 =	vor.u32 s15, v0;
	v10 =	vmul.f32 v12, v10  }
0xcf: {  	v8 =	vadd.s32 @!p0 v7, v8;
	v11 =	vshrl.u32 v11, $0x1;
	v12 =	vmov s15  }
0xd0: {  	v16 =	vshll.u32 v11, $0x3;
	v17 =	vand.u32 $0x7F, v11;
	v10 =	vadd.f32 $1.693662630e-06, v10  }
0xd1: {  	v18 =	vand.u32 $0x7, v11;
	v16 =	vadd.s32 v3, v16;
	v12 =	vand.u32 $0x300, v12  }
0xd2: {  	v12 =	vor.u32 v17, v12;
	v10 =	vadd.f32 v10, v13;
	v13 =	vor.u32 v18, v16  }
0xd3: {  	v12 =	vor.u32 v4, v12  }
0xd4: {  	[tilespmem:v14+s30+$0x0] =	vst.idx.add.f32.msk $0xffff, v10;
	v9 =	vadd.f32 @!p0 v10, v9  }
0xd5: {  	[tilespmem:v15+s30+$0x0] =	vst.idx.add.f32.msk $0xffff, v6  }
0xd6: {  	[tilespmem:v8+s11+$0x0] =	vst.idx.add.f32.msk @!p0 $0xffff, v9  }
0xd7: {  	v8 =	vld.idx.msk [tilespmem:v13+s12+$0x0], $0xffff  }
0xd8: {  	v9 =	vld.idx.msk [tilespmem:v12+s28+$0x0], $0xffff;
	_ =	sdelay $0x4  }
0xd9: {  	v10 =	vand.u32 $0x7FFFFFFF, v8;
	v12 =	vmax.f32 v8, $0.0e+00  }
0xda: {  	v10 =	vsub.f32 $0.0e+00, v10;
	v13 =	vmul.f32 v9, v8;
	v14 =	vadd.f32 @!p0 v9, v9;
	_ =	sdelay $0x1  }
0xdb: {  	v15 =	vmul.f32 $1.442695020e+00, v10;
	v9 =	vsub.f32 v12, v13;
	v10 =	vadd.f32 @!p0 $-1.000000000e+00, v14;
	_ =	sdelay $0x1  }
0xdc: {  	v10 =	vmul.f32 @!p0 v10, v8;
	(erf) = vpow2.f32 v15;
	_ =	sdelay $0x8  }
0xdd: {  	v12 =	vpop (erf)  }
0xde: {  	v8 =	vmul.f32 $-1.702961140e-02, v12;
	_ =	sdelay $0x1  }
0xdf: {  	v8 =	vadd.f32 $8.152318000e-02, v8;
	_ =	sdelay $0x1  }
0xe0: {  	v8 =	vmul.f32 v8, v12;
	_ =	sdelay $0x1  }
0xe1: {  	v8 =	vadd.f32 $-1.890195460e-01, v8;
	_ =	sdelay $0x1  }
0xe2: {  	v8 =	vmul.f32 v8, v12;
	_ =	sdelay $0x1  }
0xe3: {  	v8 =	vadd.f32 $3.150412740e-01, v8;
	_ =	sdelay $0x1  }
0xe4: {  	v13 =	vor.u32 s2, v0;
	v15 =	vmul.f32 v8, v12  }
0xe5: {  	v16 =	vmov s2;
	v8 =	vshrl.u32 v13, $0x1  }
.Ltmp2:
0xe6: {  	v13 =	vshll.u32 v8, $0x3;
	v17 =	vand.u32 $0x77, v8;
	v14 =	vld.idx.msk [tilespmem:v11+s3+$0x0], $0xffff;
	v15 =	vadd.f32 $-4.972033200e-01, v15;
	(pc) =	sbr.rel @p1 .LBB2_6-.Ltmp2, $3  }
0xe7: {  	v16 =	vand.u32 $0x300, v16;
	v11 =	vand.u32 $0x7, v8;
	v13 =	vadd.s32 v3, v13  }
0xe8: {  	v13 =	vor.u32 v11, v13;
	v11 =	vor.u32 v17, v16;
	v15 =	vmul.f32 v15, v12;
	_ =	sdelay $0x1  }
0xe9: {  	v15 =	vadd.f32 $9.998325700e-01, v15  }
0xea: {  	_ = 	snop  }
0xeb: {  	v12 =	vmul.f32 v15, v12  }
0xec: {  	v15 =	vadd.s32 v1, v14  }
0xed: {  	v16 =	vadd.s32 v5, v14;
	v12 =	vadd.f32 $1.693662630e-06, v12  }
0xee: {  	v7 =	vadd.s32 @!p0 v7, v14  }
0xef: {  	v9 =	vadd.f32 v12, v9;
	_ =	sdelay $0x1  }
0xf0: {  	[tilespmem:v15+s30+$0x0] =	vst.idx.add.f32.msk $0xffff, v9;
	v9 =	vadd.f32 @!p0 v9, v10  }
0xf1: {  	[tilespmem:v16+s30+$0x0] =	vst.idx.add.f32.msk $0xffff, v6  }
0xf2: {  	[tilespmem:v7+s11+$0x0] =	vst.idx.add.f32.msk @!p0 $0xffff, v9  }
0xf3: {  	v7 =	vld.idx.msk [tilespmem:v13+s12+$0x0], $0xffff;
	_ =	sdelay $0x4  }
0xf4: {  	v9 =	vand.u32 $0x7FFFFFFF, v7  }
0xf5: {  	v9 =	vsub.f32 $0.0e+00, v9;
	_ =	sdelay $0x1  }
0xf6: {  	v9 =	vmul.f32 $1.442695020e+00, v9;
	_ =	sdelay $0x1  }
0xf7: {  	(erf) = vpow2.f32 v9;
	_ =	sdelay $0x8  }
0xf8: {  	v9 =	vpop (erf)  }
0xf9: {  	v10 =	vmul.f32 $-1.702961140e-02, v9;
	_ =	sdelay $0x1  }
0xfa: {  	v10 =	vadd.f32 $8.152318000e-02, v10;
	_ =	sdelay $0x1  }
0xfb: {  	v10 =	vmul.f32 v10, v9;
	_ =	sdelay $0x1  }
0xfc: {  	v10 =	vadd.f32 $-1.890195460e-01, v10  }
0xfd: {  	v11 =	vor.u32 v4, v11  }
0xfe: {  	v10 =	vmul.f32 v10, v9;
	_ =	sdelay $0x1  }
0xff: {  	v10 =	vadd.f32 $3.150412740e-01, v10;
	_ =	sdelay $0x1  }
0x100: {  	v11 =	vld.idx.msk [tilespmem:v11+s28+$0x0], $0xffff;
	v10 =	vmul.f32 v10, v9;
	_ =	sdelay $0x1  }
0x101: {  	v8 =	vld.idx.msk [tilespmem:v8+s3+$0x0], $0xffff;
	v10 =	vadd.f32 $-4.972033200e-01, v10;
	_ =	sdelay $0x1  }
0x102: {  	v10 =	vmul.f32 v10, v9  }
0x103: {  	v12 =	vmul.f32 v11, v7  }
0x104: {  	v11 =	vadd.f32 @!p0 v11, v11;
	v13 =	vmax.f32 v7, $0.0e+00;
	v10 =	vadd.f32 $9.998325700e-01, v10  }
0x105: {  	s2 =	sadd.s32 $0x10, s2;
	v14 =	vadd.s32 v1, v8;
	v12 =	vsub.f32 v13, v12;
	v13 =	vlaneseq.u32 @!p0  }
0x106: {  	v13 =	vmul.u32 @!p0 $0x100, v13;
	v9 =	vmul.f32 v10, v9;
	v10 =	vor.u32 s2, v0  }
0x107: {  	v15 =	vadd.s32 v5, v8;
	v11 =	vadd.f32 @!p0 $-1.000000000e+00, v11;
	v10 =	vshrl.u32 v10, $0x1  }
0x108: {  	v13 =	vor.u32 @!p0 $0x80, v13;
	v9 =	vadd.f32 $1.693662630e-06, v9;
	v62 =	vshll.u32 v10, $0x3  }
0x109: {  	v8 =	vadd.s32 @!p0 v13, v8;
	v17 =	vand.u32 $0x7, v10;
	v16 =	vadd.s32 v3, v62  }
0x10a: {  	v7 =	vmul.f32 @!p0 v11, v7;
	v9 =	vadd.f32 v9, v12;
	v11 =	vor.u32 v17, v16;
	_ =	sdelay $0x1  }
0x10b: {  	[tilespmem:v14+s30+$0x0] =	vst.idx.add.f32.msk $0xffff, v9;
	v7 =	vadd.f32 @!p0 v9, v7  }
0x10c: {  	s11 =	simm.s32 @!p0 $0x2A00;
	[tilespmem:v15+s30+$0x0] =	vst.idx.add.f32.msk $0xffff, v6  }
0x10d: {  	[tilespmem:v8+s11+$0x0] =	vst.idx.add.f32.msk @!p0 $0xffff, v7  }
0x10e: {  	v7 =	vld.idx.msk [tilespmem:v11+s12+$0x0], $0xffff;
	_ =	sdelay $0x4  }
0x10f: {  	v8 =	vand.u32 $0x7FFFFFFF, v7  }
0x110: {  	v8 =	vsub.f32 $0.0e+00, v8;
	_ =	sdelay $0x1  }
0x111: {  	v8 =	vmul.f32 $1.442695020e+00, v8;
	_ =	sdelay $0x1  }
0x112: {  	(erf) = vpow2.f32 v8;
	_ =	sdelay $0x8  }
0x113: {  	v8 =	vpop (erf)  }
0x114: {  	v9 =	vmul.f32 $-1.702961140e-02, v8;
	_ =	sdelay $0x1  }
0x115: {  	v9 =	vadd.f32 $8.152318000e-02, v9;
	_ =	sdelay $0x1  }
0x116: {  	v9 =	vmul.f32 v9, v8;
	_ =	sdelay $0x1  }
0x117: {  	v11 =	vmov s2;
	v9 =	vadd.f32 $-1.890195460e-01, v9  }
0x118: {  	v12 =	vand.u32 $0x7F, v10;
	v11 =	vand.u32 $0x300, v11  }
0x119: {  	v11 =	vor.u32 v12, v11;
	v9 =	vmul.f32 v9, v8  }
0x11a: {  	v11 =	vor.u32 v4, v11  }
0x11b: {  	v9 =	vadd.f32 $3.150412740e-01, v9;
	_ =	sdelay $0x1  }
0x11c: {  	v9 =	vmul.f32 v9, v8;
	_ =	sdelay $0x1  }
0x11d: {  	v11 =	vld.idx.msk [tilespmem:v11+s28+$0x0], $0xffff;
	v9 =	vadd.f32 $-4.972033200e-01, v9;
	_ =	sdelay $0x1  }
0x11e: {  	v10 =	vld.idx.msk [tilespmem:v10+s3+$0x0], $0xffff;
	v9 =	vmul.f32 v9, v8;
	_ =	sdelay $0x1  }
0x11f: {  	v9 =	vadd.f32 $9.998325700e-01, v9  }
0x120: {  	v12 =	vmul.f32 v11, v7  }
0x121: {  	v14 =	vmax.f32 v7, $0.0e+00;
	v11 =	vadd.f32 @!p0 v11, v11;
	v8 =	vmul.f32 v9, v8  }
0x122: {  	v9 =	vsub.f32 v14, v12;
	v12 =	vadd.s32 v1, v10  }
0x123: {  	v11 =	vadd.f32 @!p0 $-1.000000000e+00, v11;
	v14 =	vadd.s32 v5, v10;
	v8 =	vadd.f32 $1.693662630e-06, v8  }
0x124: {  	v10 =	vadd.s32 @!p0 v13, v10  }
0x125: {  	v7 =	vmul.f32 @!p0 v11, v7;
	v8 =	vadd.f32 v8, v9;
	_ =	sdelay $0x1  }
0x126: {  	[tilespmem:v12+s30+$0x0] =	vst.idx.add.f32.msk $0xffff, v8;
	v7 =	vadd.f32 @!p0 v8, v7  }
0x127: {  	[tilespmem:v14+s30+$0x0] =	vst.idx.add.f32.msk $0xffff, v6  }
0x128: {  	[tilespmem:v10+s11+$0x0] =	vst.idx.add.f32.msk @!p0 $0xffff, v7;
	s11 =	simm.s32 $0x0  }
0x129: {  	v7 =	vld [tilespmem:s11+$0x2A00]  }
0x12a: {  	v8 =	vld [tilespmem:s11+$0x2B00];
	_ =	sdelay $0x1  }
0x12b: {  	v9 =	vld [tilespmem:s11+$0x2C00];
	_ =	sdelay $0x1  }
0x12c: {  	v10 =	vld [tilespmem:s11+$0x2D00]  }
0x12d: {  	v7 =	vadd.f32 v8, v7  }
0x12e: {  	v8 =	vld [tilespmem:s11+$0x2E00]  }
0x12f: {  	v7 =	vadd.f32 v9, v7  }
0x130: {  	v9 =	vld [tilespmem:s11+$0x2F00]  }
0x131: {  	v7 =	vadd.f32 v10, v7  }
0x132: {  	v10 =	vld [tilespmem:s11+$0x3000]  }
0x133: {  	v7 =	vadd.f32 v8, v7  }
0x134: {  	v8 =	vld [tilespmem:s11+$0x3100]  }
0x135: {  	s2 =	simm.s32 $0x10;
	v11 =	vld [tilespmem:s11+$0x3200];
	v7 =	vadd.f32 v9, v7  }
0x136: {  	v12 =	vld [tilespmem:s2+$0x2A00]  }
0x137: {  	v9 =	vld [tilespmem:s11+$0x3300];
	v7 =	vadd.f32 v10, v7  }
0x138: {  	v10 =	vld [tilespmem:s2+$0x2B00]  }
0x139: {  	v13 =	vld [tilespmem:s2+$0x2C00];
	v7 =	vadd.f32 v8, v7  }
0x13a: {  	v8 =	vld [tilespmem:s11+$0x3400]  }
0x13b: {  	v14 =	vld [tilespmem:s2+$0x2D00];
	v7 =	vadd.f32 v11, v7  }
0x13c: {  	v11 =	vld [tilespmem:s11+$0x3500]  }
0x13d: {  	v10 =	vadd.f32 v10, v12;
	v12 =	vld [tilespmem:s2+$0x2E00];
	v7 =	vadd.f32 v9, v7  }
0x13e: {  	v9 =	vld [tilespmem:s11+$0x3600]  }
0x13f: {  	v10 =	vadd.f32 v13, v10;
	v13 =	vld [tilespmem:s2+$0x2F00];
	v7 =	vadd.f32 v8, v7  }
0x140: {  	v8 =	vld [tilespmem:s11+$0x3700]  }
0x141: {  	v15 =	vld [tilespmem:s2+$0x3000];
	v10 =	vadd.f32 v14, v10;
	v7 =	vadd.f32 v11, v7  }
0x142: {  	v14 =	vld [tilespmem:s11+$0x3800]  }
0x143: {  	v11 =	vadd.f32 v12, v10;
	v10 =	vld [tilespmem:s2+$0x3100];
	v12 =	vadd.f32 v9, v7  }
0x144: {  	v9 =	vld [tilespmem:s11+$0x3900]  }
0x145: {  	v7 =	vld [tilespmem:s2+$0x3300];
	v13 =	vadd.f32 v13, v11;
	v63 =	vadd.f32 v8, v12  }
0x146: {  	s13 =	simm.s32 $0x20;
	v11 =	vld [tilespmem:s2+$0x3200]  }
0x147: {  	s14 =	simm.s32 $0xC0;
	v8 =	vld [tilespmem:s13+$0x2A00];
	v12 =	vadd.f32 v15, v13;
	v13 =	vadd.f32 v14, v63  }
.LBB2_8:
0x148: {  	p1 =	sne.s32 s14, $0x3C0;
	v14 =	vld [tilespmem:s13+$0x2B00]  }
0x149: {  	v10 =	vadd.f32 v10, v12;
	v12 =	vld [tilespmem:s2+$0x3400];
	v9 =	vadd.f32 v9, v13  }
0x14a: {  	v13 =	vld [tilespmem:s13+$0x2C00]  }
0x14b: {  	v10 =	vadd.f32 v11, v10;
	v11 =	vld [tilespmem:s2+$0x3500];
	[tilespmem:s11+$0x3A00] =	vst v9;
	s11 =	smov.u32 s2;
	s2 =	smov.u32 s13  }
0x14c: {  	v9 =	vld [tilespmem:s2+$0x2D00]  }
0x14d: {  	v8 =	vadd.f32 v14, v8;
	v7 =	vadd.f32 v7, v10;
	v10 =	vld [tilespmem:s11+$0x3600]  }
0x14e: {  	v14 =	vld [tilespmem:s2+$0x2E00]  }
0x14f: {  	v8 =	vadd.f32 v13, v8;
	v7 =	vadd.f32 v12, v7;
	v12 =	vld [tilespmem:s11+$0x3700]  }
0x150: {  	v13 =	vld [tilespmem:s2+$0x2F00]  }
0x151: {  	v8 =	vadd.f32 v9, v8;
	v7 =	vadd.f32 v11, v7;
	v15 =	vld [tilespmem:s11+$0x3800]  }
0x152: {  	v16 =	vld [tilespmem:s2+$0x3000]  }
.Ltmp3:
0x153: {  	v8 =	vadd.f32 v14, v8;
	v11 =	vadd.f32 v10, v7;
	v9 =	vld [tilespmem:s11+$0x3900];
	(pc) =	sbr.rel @p1 .LBB2_8-.Ltmp3, $4  }
0x154: {  	v10 =	vld [tilespmem:s2+$0x3100]  }
0x155: {  	v13 =	vadd.f32 v13, v8;
	v7 =	vld [tilespmem:s2+$0x3300];
	v14 =	vadd.f32 v12, v11  }
0x156: {  	s13 =	sshra.s32 s14, $0x2;
	v11 =	vld [tilespmem:s2+$0x3200]  }
0x157: {  	s14 =	sadd.s32 $0x40, s14;
	v8 =	vld [tilespmem:s13+$0x2A00];
	v12 =	vadd.f32 v16, v13;
	v13 =	vadd.f32 v15, v14  }
0x158: {  	v14 =	vld [tilespmem:s13+$0x2B00]  }
0x159: {  	v15 =	vld [tilespmem:s2+$0x3400];
	v9 =	vadd.f32 v9, v13  }
0x15a: {  	v49 =	vld [tilespmem:s13+$0x2C00]  }
0x15b: {  	v16 =	vld [tilespmem:s2+$0x3500];
	v10 =	vadd.f32 v10, v12;
	[tilespmem:s11+$0x3A00] =	vst v9  }
0x15c: {  	v9 =	vld [tilespmem:s13+$0x2D00]  }
0x15d: {  	v10 =	vadd.f32 v11, v10;
	v8 =	vadd.f32 v14, v8  }
0x15e: {  	v50 =	vld [tilespmem:s13+$0x2E00]  }
0x15f: {  	v51 =	vld [tilespmem:s2+$0x3600];
	v7 =	vadd.f32 v7, v10;
	v8 =	vadd.f32 v49, v8  }
0x160: {  	v52 =	vld [tilespmem:s13+$0x2F00]  }
0x161: {  	v53 =	vld [tilespmem:s2+$0x3700];
	v7 =	vadd.f32 v15, v7;
	v8 =	vadd.f32 v9, v8  }
0x162: {  	v54 =	vld [tilespmem:s13+$0x3000]  }
0x163: {  	v55 =	vld [tilespmem:s2+$0x3800];
	v7 =	vadd.f32 v16, v7;
	v8 =	vadd.f32 v50, v8  }
0x164: {  	v56 =	vld [tilespmem:s13+$0x3100]  }
0x165: {  	v57 =	vld [tilespmem:s2+$0x3900];
	v7 =	vadd.f32 v51, v7;
	v8 =	vadd.f32 v52, v8  }
0x166: {  	v58 =	vld [tilespmem:s13+$0x3200]  }
0x167: {  	v7 =	vadd.f32 v53, v7;
	v8 =	vadd.f32 v54, v8  }
0x168: {  	v59 =	vld [tilespmem:s13+$0x3300]  }
0x169: {  	v7 =	vadd.f32 v55, v7;
	v8 =	vadd.f32 v56, v8  }
0x16a: {  	v60 =	vld [tilespmem:s13+$0x3400]  }
0x16b: {  	v7 =	vadd.f32 v57, v7;
	v8 =	vadd.f32 v58, v8  }
0x16c: {  	v61 =	vld [tilespmem:s13+$0x3500]  }
0x16d: {  	[tilespmem:s2+$0x3A00] =	vst v7;
	v7 =	vadd.f32 v59, v8  }
0x16e: {  	v8 =	vld [tilespmem:s13+$0x3600]  }
0x16f: {  	v7 =	vadd.f32 v60, v7  }
0x170: {  	v62 =	vld [tilespmem:s13+$0x3700]  }
0x171: {  	v7 =	vadd.f32 v61, v7  }
0x172: {  	v63 =	vld [tilespmem:s13+$0x3800]  }
0x173: {  	v7 =	vadd.f32 v8, v7  }
0x174: {  	v8 =	vld [tilespmem:s13+$0x3900]  }
0x175: {  	v7 =	vadd.f32 v62, v7;
	_ =	sdelay $0x1  }
0x176: {  	v7 =	vadd.f32 v63, v7;
	_ =	sdelay $0x1  }
0x177: {  	s0 =	sadd.s32 $0x1, s0;
	v7 =	vadd.f32 v8, v7  }
0x178: {  	p1 =	sne.s32 s0, s7  }
.Ltmp4:
0x179: {  	[tilespmem:s13+$0x3A00] =	vst v7;
	(pc) =	sbr.rel @p1 .LBB2_1-.Ltmp4, $4  }
0x17a: {  	[hbm4b:s6+s3] =	stream.linear.scatter [tilespmem:s31], [sflag:$0x2], $0x100, $0x38;
	[tilespmem:$0x3B00] =	vst v63  }
0x17b: {  	_ =	swait.ge [sflag:s9], $0x100  }
0x17c: {  	[sflag:s9] =	ssyncset.done $0x0  }
0x17d: {  	[sflag:s9] =	ssyncadd.s32 $0xFFFFFF00  }
0x17e: {  	_ =	sfence.sel $0x180000  }
0x17f: {  	[bflag:$0x0] =	sbarrier.arrive $0xFFFF  }
0x180: {  	_ =	strace $0x90000047  }
0x181: {  	s0 =	stileid.u32;
	[bflag:$0x2] =	sbarrier.arrive $0xFFFF  }
0x182: {  	p0 =	sne.s32 s0, $0x0;
	s0 =	rddreg [dreg:$0x3]  }
0x183: {  	s0 =	sadd.s32 @!p0 $0x100000, s0  }
0x184: {  	[sflag:s0] =	ssyncadd.tile.s32 @!p0 $0x1;
	_ =	shalt  }
.Lfunc_end2:
_tile_overlayer_lowered:
.L_overlay_start_2:
0x185: {  	(tag) =	ssettag $0x2  }
0x186: {  	s0 =	rddreg [dreg:$0x0];
	s2 =	stileid.u32  }
0x187: {  	s1 =	rddreg [dreg:$0x1];
	p0 =	sne.s32 s2, $0x0  }
0x188: {  	s3 =	rddreg [dreg:$0x2];
	[bflag:$0x3] =	sbarrier.arrive $0xFFFF;
	s2 =	simm.s32 @!p0 $0x1C02  }
0x189: {  	[timem:s3], [sflag:s2] =	dma.local @!p0 [hbm:s0], s1  }
0x18a: {  	s0 =	simm.s32 @!p0 $0x2  }
0x18b: {  	_ =	swait.ge @!p0 [sflag:s0], s1  }
0x18c: {  	s1 =	ssub.s32 @!p0 $0x0, s1;
	[sflag:s0] =	ssyncset.done @!p0 $0x0  }
0x18d: {  	[sflag:s0] =	ssyncadd.s32 @!p0 s1  }
0x18e: {  	[bflag:$0x3] =	sbarrier.arrive $0xFFFF  }
0x18f: {  	_ =	shalt  }

</sc_bundles>
